<compile_context>
chip_gen: v7x
topology: tpu7x:2x2x1
jax: 0.10.2.dev20260603
libtpu: 0.0.44.dev20260713+nightly
codegen_flags: <defaults>
</compile_context>

<pallas_src>
import functools

import jax
import jax.numpy as jnp
from jax import lax
from jax.experimental import pallas as pl
from jax.experimental.pallas import tpu as pltpu
from jax.experimental.pallas import tpu_sc as plsc

N = 10000
D = 128
NE = 320000

_info = plsc.get_sparse_core_info()
NC = _info.num_cores
NS = _info.num_subcores
NW = NC * NS
NPT = 320
NPAD = NW * NPT
CHUNK = 6400
NCHUNK = NE // CHUNK
G = 64
ACH = 32
LANES = 16


def _mm_body(x_ref, w_ref, b_ref, a_ref, bm_ref):
    xb = x_ref[...]
    w1 = w_ref[:D, :]
    w2 = w_ref[D:, :]
    bm_ref[...] = jnp.dot(xb, w2, preferred_element_type=jnp.float32)
    a_ref[...] = (
        jnp.dot(xb, w1 - w2, preferred_element_type=jnp.float32) + b_ref[...]
    )


_BLKM = 2048


def _matmuls(xp, W, b2):
    return pl.pallas_call(
        _mm_body,
        grid=(NPAD // _BLKM,),
        in_specs=[
            pl.BlockSpec((_BLKM, D), lambda i: (i, 0)),
            pl.BlockSpec((2 * D, D), lambda i: (0, 0)),
            pl.BlockSpec((1, D), lambda i: (0, 0)),
        ],
        out_specs=[
            pl.BlockSpec((_BLKM, D), lambda i: (i, 0)),
            pl.BlockSpec((_BLKM, D), lambda i: (i, 0)),
        ],
        out_shape=[
            jax.ShapeDtypeStruct((NPAD, D), jnp.float32),
            jax.ShapeDtypeStruct((NPAD, D), jnp.float32),
        ],
    )(xp, W, b2)


def _sc_body(bm_hbm, a_hbm, src_hbm, dst_hbm, out_hbm,
             dstb, srcb, csrc, cdst, accum, rows, abuf, sem):
    wid = lax.axis_index("s") * NC + lax.axis_index("c")
    lo = wid * NPT

    neg = jnp.full((LANES,), -jnp.inf, jnp.float32)

    def init_body(i, _):
        accum[pl.ds(i * LANES, LANES)] = neg
        return 0

    lax.fori_loop(0, (NPT + 1) * D // LANES, init_body, 0, unroll=4)

    iota = lax.iota(jnp.int32, LANES)
    one = jnp.ones((LANES,), jnp.int32)
    zero16 = jnp.zeros((LANES,), jnp.int32)
    pad16 = jnp.full((LANES,), NPT, jnp.int32)

    def chunk_body(c, _):
        off = pl.multiple_of(c * CHUNK, CHUNK)
        pltpu.sync_copy(dst_hbm.at[pl.ds(off, CHUNK)], dstb)
        pltpu.sync_copy(src_hbm.at[pl.ds(off, CHUNK)], srcb)

        def scan_body(i, nm):
            d = dstb[pl.ds(i * LANES, LANES)]
            s = srcb[pl.ds(i * LANES, LANES)]
            dl = d - lo
            m = (dl >= 0) & (dl < NPT)
            pos = plsc.cumsum(jnp.where(m, one, zero16)) + nm - 1
            plsc.store_scatter(csrc, [pos], s, mask=m)
            plsc.store_scatter(cdst, [pos], dl, mask=m)
            return nm + plsc.all_reduce_population_count(m)

        nmv = lax.fori_loop(0, CHUNK // LANES, scan_body,
                            jnp.zeros((LANES,), jnp.int32), unroll=4)
        for kpad in range(G // LANES):
            posp = nmv + (kpad * LANES) + iota
            plsc.store_scatter(csrc, [posp], zero16)
            plsc.store_scatter(cdst, [posp], pad16)
        nm = jnp.max(nmv)
        ngrp = (nm + (G - 1)) >> 6

        def grp_body(g, _):
            goff = g * G
            idx = csrc.at[pl.ds(goff, G)]
            pltpu.async_copy(bm_hbm.at[idx], rows, sem).wait()

            def row_body(r, _):
                ld = cdst[pl.ds(goff + r, LANES)][0]
                rb = ld << 7
                for k in range(D // LANES):
                    a = accum[pl.ds(rb + k * LANES, LANES)]
                    v = rows[r, pl.ds(k * LANES, LANES)]
                    accum[pl.ds(rb + k * LANES, LANES)] = jnp.maximum(a, v)
                return 0

            lax.fori_loop(0, G, row_body, 0)
            return 0

        lax.fori_loop(0, ngrp, grp_body, 0)
        return 0

    lax.fori_loop(0, NCHUNK, chunk_body, 0)

    def comb_body(t, _):
        row0 = lo + t * ACH
        pltpu.sync_copy(a_hbm.at[pl.ds(row0, ACH)], abuf)

        def cr(i, _):
            rb = (t * ACH + i) * D
            for k in range(D // LANES):
                av = abuf[i, pl.ds(k * LANES, LANES)]
                mv = accum[pl.ds(rb + k * LANES, LANES)]
                abuf[i, pl.ds(k * LANES, LANES)] = jnp.maximum(av + mv, 0.0)
            return 0

        lax.fori_loop(0, ACH, cr, 0)
        pltpu.sync_copy(abuf, out_hbm.at[pl.ds(row0, ACH)])
        return 0

    lax.fori_loop(0, NPT // ACH, comb_body, 0)


_sc_call = functools.partial(
    pl.kernel,
    out_type=jax.ShapeDtypeStruct((NPAD, D), jnp.float32),
    mesh=plsc.VectorSubcoreMesh(core_axis_name="c", subcore_axis_name="s"),
    scratch_types=[
        pltpu.VMEM((CHUNK,), jnp.int32),
        pltpu.VMEM((CHUNK,), jnp.int32),
        pltpu.VMEM((CHUNK + G,), jnp.int32),
        pltpu.VMEM((CHUNK + G + LANES,), jnp.int32),
        pltpu.VMEM(((NPT + 1) * D,), jnp.float32),
        pltpu.VMEM((G, D), jnp.float32),
        pltpu.VMEM((ACH, D), jnp.float32),
        pltpu.SemaphoreType.DMA,
    ],
    compiler_params=pltpu.CompilerParams(needs_layout_passes=False),
)(_sc_body)


@jax.jit
def kernel(x, edge_index, W, b):
    ei = edge_index.astype(jnp.int32)
    src = ei[0]
    dst = ei[1]
    xp = jnp.pad(x, ((0, NPAD - N), (0, 0)))
    aprime, bmat = _matmuls(xp, W, b.reshape(1, D))
    out = _sc_call(bmat, aprime, src, dst)
    return out[:N]

# --- scband reference (transcript-rebuilt; emitter-appended) ---
"""Pipeline reference for scband-grapher-dgl-3135326126137 (READ-ONLY COPY).

The authoritative reference and input builder live on the scoring server;
editing this copy changes nothing except your own understanding.
"""

import jax, jax.numpy as jnp
import numpy as np

N_NODES = 10000
N_EDGES = 320000
D = 128

def setup_inputs(seed: int = 0) -> dict:
    key = jax.random.key(seed)
    k1, k2, k3, k4 = jax.random.split(key, 4)
    x = jax.random.normal(k1, (N_NODES, D), dtype=jnp.float32)
    edge_index = jax.random.randint(k2, (2, N_EDGES), 0, N_NODES, dtype=jnp.int64)
    # EdgeConv linear: in = 2*D, out = D (PyG-style nn.Linear(in_channels*2, in_channels))
    W = jax.random.normal(k3, (2 * D, D), dtype=jnp.float32) * (1.0 / np.sqrt(2 * D))
    b = jax.random.normal(k4, (D,), dtype=jnp.float32) * 0.01
    return {"x": x, "edge_index": edge_index, "W": W, "b": b}

def reference(x, edge_index, W, b):
    # GrapherDGL forward with conv='edge', norm=None, act='relu', dropout=0, drop_path=0 (eval mode)
    src = edge_index[0]
    dst = edge_index[1]
    x_i = jnp.take(x, dst, axis=0)          # destination (center) node features, per edge
    x_j = jnp.take(x, src, axis=0)          # source (neighbor) node features, per edge
    msg = jnp.concatenate([x_i, x_j - x_i], axis=-1) @ W + b  # per-edge MLP message
    # max aggregation over incoming edges per destination node
    out = jax.ops.segment_max(msg, dst, num_segments=x.shape[0])
    # nodes with no incoming edges get -inf from segment_max; fill with 0 (matches scatter-max default fill)
    out = jnp.where(jnp.isneginf(out), 0.0, out)
    # drop_path = Identity, norm = None
    out = jax.nn.relu(out)
    # dropout p=0.0 -> identity
    return out

if __name__ == "__main__":
    import jax
    _d = setup_inputs()
    print(jax.jit(kernel)(*tuple(_d.values())))

</pallas_src>

<mosaic_0001>
#map = affine_map<(d0, d1) -> (0, 0)>
#map1 = affine_map<(d0, d1) -> (0)>
module attributes {stable_mosaic.version = 14 : i64} {
  func.func @_sc_body(%arg0: i32, %arg1: i32, %arg2: memref<10240x128xf32, #tpu.memory_space<hbm>>, %arg3: memref<10240x128xf32, #tpu.memory_space<hbm>>, %arg4: memref<320000xi32, #tpu.memory_space<hbm>>, %arg5: memref<320000xi32, #tpu.memory_space<hbm>>, %arg6: memref<10240x128xf32, #tpu.memory_space<hbm>>, %arg7: memref<6400xi32, #tpu.memory_space<vmem>>, %arg8: memref<6400xi32, #tpu.memory_space<vmem>>, %arg9: memref<6464xi32, #tpu.memory_space<vmem>>, %arg10: memref<6480xi32, #tpu.memory_space<vmem>>, %arg11: memref<41088xf32, #tpu.memory_space<vmem>>, %arg12: memref<64x128xf32, #tpu.memory_space<vmem>>, %arg13: memref<32x128xf32, #tpu.memory_space<vmem>>, %arg14: memref<!tpu.dma_semaphore, #tpu.memory_space<semaphore_mem>>) attributes {dimension_semantics = [#tpu.dimension_semantics<core_parallel>, #tpu.dimension_semantics<subcore_parallel>], iteration_bounds = array<i64: 2, 16>, scalar_prefetch = 0 : i64, scratch_operands = 8 : i64, tpu.core_type = #tpu.core_type<sc_vector_subcore>, window_params = [{transform_indices = #map}, {transform_indices = #map}, {transform_indices = #map1}, {transform_indices = #map1}, {transform_indices = #map}]} {
    %mul3A = arith.constant 2 : i32
    %mul3A_0 = arith.muli %arg1, %mul3A : i32
    %add3A = arith.addi %mul3A_0, %arg0 : i32
    %mul3A_1 = arith.constant 320 : i32
    %mul3A_2 = arith.muli %add3A, %mul3A_1 : i32
    %broadcast_in_dim3A = arith.constant 0xFF800000 : f32
    %broadcast_in_dim3A_3 = vector.broadcast %broadcast_in_dim3A : f32 to vector<16xf32>
    %scan3A = arith.constant 0 : i32
    %scan3A_4 = arith.constant 0 : i32
    %scan3A_5 = arith.constant 2568 : i32
    %scan3A_6 = arith.addi %scan3A_4, %scan3A_5 : i32
    %scan3A_7 = arith.constant 4 : i32
    %scan3A_8 = scf.for %scan3A_30 = %scan3A_4 to %scan3A_6 step %scan3A_7 iter_args(%scan3A_31 = %scan3A) -> (i32)  : i32 {
      %mul3A_32 = arith.constant 16 : i32
      %mul3A_33 = arith.muli %scan3A_30, %mul3A_32 : i32
      %swap3A = arith.index_cast %mul3A_33 : i32 to index
      %swap3A_34 = tpu.vector_load %arg11[%swap3A] {strides = array<i32>} : memref<41088xf32, #tpu.memory_space<vmem>>, vector<16xf32>,
      tpu.vector_store %arg11[%swap3A], %broadcast_in_dim3A_3 {strides = array<i32>} : memref<41088xf32, #tpu.memory_space<vmem>>, vector<16xf32>,
      %scan3A_35 = arith.constant 0 : i32
      %scan3A_36 = arith.constant 1 : i32
      %scan3A_37 = arith.addi %scan3A_30, %scan3A_36 : i32
      %mul3A_38 = arith.constant 16 : i32
      %mul3A_39 = arith.muli %scan3A_37, %mul3A_38 : i32
      %swap3A_40 = arith.index_cast %mul3A_39 : i32 to index
      %swap3A_41 = tpu.vector_load %arg11[%swap3A_40] {strides = array<i32>} : memref<41088xf32, #tpu.memory_space<vmem>>, vector<16xf32>,
      tpu.vector_store %arg11[%swap3A_40], %broadcast_in_dim3A_3 {strides = array<i32>} : memref<41088xf32, #tpu.memory_space<vmem>>, vector<16xf32>,
      %scan3A_42 = arith.constant 0 : i32
      %scan3A_43 = arith.constant 2 : i32
      %scan3A_44 = arith.addi %scan3A_30, %scan3A_43 : i32
      %mul3A_45 = arith.constant 16 : i32
      %mul3A_46 = arith.muli %scan3A_44, %mul3A_45 : i32
      %swap3A_47 = arith.index_cast %mul3A_46 : i32 to index
      %swap3A_48 = tpu.vector_load %arg11[%swap3A_47] {strides = array<i32>} : memref<41088xf32, #tpu.memory_space<vmem>>, vector<16xf32>,
      tpu.vector_store %arg11[%swap3A_47], %broadcast_in_dim3A_3 {strides = array<i32>} : memref<41088xf32, #tpu.memory_space<vmem>>, vector<16xf32>,
      %scan3A_49 = arith.constant 0 : i32
      %scan3A_50 = arith.constant 3 : i32
      %scan3A_51 = arith.addi %scan3A_30, %scan3A_50 : i32
      %mul3A_52 = arith.constant 16 : i32
      %mul3A_53 = arith.muli %scan3A_51, %mul3A_52 : i32
      %swap3A_54 = arith.index_cast %mul3A_53 : i32 to index
      %swap3A_55 = tpu.vector_load %arg11[%swap3A_54] {strides = array<i32>} : memref<41088xf32, #tpu.memory_space<vmem>>, vector<16xf32>,
      tpu.vector_store %arg11[%swap3A_54], %broadcast_in_dim3A_3 {strides = array<i32>} : memref<41088xf32, #tpu.memory_space<vmem>>, vector<16xf32>,
      %scan3A_56 = arith.constant 0 : i32
      scf.yield %scan3A_56 : i32
    }
    %scan3A_9 = arith.constant 2568 : i32
    %iota3A = tpu.iota {dimensions = array<i32: 0>} : vector<16xi32>
    %broadcast_in_dim3A_10 = arith.constant 1 : i32
    %broadcast_in_dim3A_11 = vector.broadcast %broadcast_in_dim3A_10 : i32 to vector<16xi32>
    %broadcast_in_dim3A_12 = arith.constant 0 : i32
    %broadcast_in_dim3A_13 = vector.broadcast %broadcast_in_dim3A_12 : i32 to vector<16xi32>
    %broadcast_in_dim3A_14 = arith.constant 320 : i32
    %broadcast_in_dim3A_15 = vector.broadcast %broadcast_in_dim3A_14 : i32 to vector<16xi32>
    %scan3A_16 = arith.constant 0 : i32
    %scan3A_17 = arith.constant 0 : i32
    %scan3A_18 = arith.constant 50 : i32
    %scan3A_19 = arith.addi %scan3A_17, %scan3A_18 : i32
    %scan3A_20 = arith.constant 1 : i32
    %scan3A_21 = scf.for %scan3A_30 = %scan3A_17 to %scan3A_19 step %scan3A_20 iter_args(%scan3A_31 = %scan3A_16) -> (i32)  : i32 {
      %mul3A_32 = arith.constant 6400 : i32
      %mul3A_33 = arith.muli %scan3A_30, %mul3A_32 : i32
      %multiple_of3A = tpu.assume_multiple %mul3A_33, 6400 : i32
      "tpu.region"() ({
        %run_scoped3A = tpu.sem_alloc : memref<!tpu.dma_semaphore, #tpu.memory_space<semaphore_mem>>
        %dma_start3A = tpu.memref_slice %arg5[%multiple_of3A] : memref<320000xi32, #tpu.memory_space<hbm>> -> memref<6400xi32, #tpu.memory_space<hbm>>
        %dma_start3A_80 = tpu.memref_slice %arg5[%multiple_of3A] : memref<320000xi32, #tpu.memory_space<hbm>> -> memref<6400xi32, #tpu.memory_space<hbm>>
        tpu.enqueue_dma source(%dma_start3A_80 : memref<6400xi32, #tpu.memory_space<hbm>>) target(%arg7 : memref<6400xi32, #tpu.memory_space<vmem>>) target_semaphore(%run_scoped3A : memref<!tpu.dma_semaphore, #tpu.memory_space<semaphore_mem>>)
        %dma_wait3A = tpu.memref_slice %arg5[%multiple_of3A] : memref<320000xi32, #tpu.memory_space<hbm>> -> memref<6400xi32, #tpu.memory_space<hbm>>
        %dma_wait3A_81 = tpu.memref_slice %arg5[%multiple_of3A] : memref<320000xi32, #tpu.memory_space<hbm>> -> memref<6400xi32, #tpu.memory_space<hbm>>
        tpu.wait_dma2 semaphore(%run_scoped3A : memref<!tpu.dma_semaphore, #tpu.memory_space<semaphore_mem>>) src(%dma_wait3A_81 : memref<6400xi32, #tpu.memory_space<hbm>>) dst(%arg7 : memref<6400xi32, #tpu.memory_space<vmem>>)
        tpu.yield
      }) : () -> ()
      "tpu.region"() ({
        %run_scoped3A = tpu.sem_alloc : memref<!tpu.dma_semaphore, #tpu.memory_space<semaphore_mem>>
        %dma_start3A = tpu.memref_slice %arg4[%multiple_of3A] : memref<320000xi32, #tpu.memory_space<hbm>> -> memref<6400xi32, #tpu.memory_space<hbm>>
        %dma_start3A_80 = tpu.memref_slice %arg4[%multiple_of3A] : memref<320000xi32, #tpu.memory_space<hbm>> -> memref<6400xi32, #tpu.memory_space<hbm>>
        tpu.enqueue_dma source(%dma_start3A_80 : memref<6400xi32, #tpu.memory_space<hbm>>) target(%arg8 : memref<6400xi32, #tpu.memory_space<vmem>>) target_semaphore(%run_scoped3A : memref<!tpu.dma_semaphore, #tpu.memory_space<semaphore_mem>>)
        %dma_wait3A = tpu.memref_slice %arg4[%multiple_of3A] : memref<320000xi32, #tpu.memory_space<hbm>> -> memref<6400xi32, #tpu.memory_space<hbm>>
        %dma_wait3A_81 = tpu.memref_slice %arg4[%multiple_of3A] : memref<320000xi32, #tpu.memory_space<hbm>> -> memref<6400xi32, #tpu.memory_space<hbm>>
        tpu.wait_dma2 semaphore(%run_scoped3A : memref<!tpu.dma_semaphore, #tpu.memory_space<semaphore_mem>>) src(%dma_wait3A_81 : memref<6400xi32, #tpu.memory_space<hbm>>) dst(%arg8 : memref<6400xi32, #tpu.memory_space<vmem>>)
        tpu.yield
      }) : () -> ()
      %broadcast_in_dim3A_34 = arith.constant 0 : i32
      %broadcast_in_dim3A_35 = vector.broadcast %broadcast_in_dim3A_34 : i32 to vector<16xi32>
      %scan3A_36 = arith.constant 0 : i32
      %scan3A_37 = arith.constant 400 : i32
      %scan3A_38 = arith.addi %scan3A_36, %scan3A_37 : i32
      %scan3A_39 = arith.constant 4 : i32
      %scan3A_40 = scf.for %scan3A_80 = %scan3A_36 to %scan3A_38 step %scan3A_39 iter_args(%scan3A_81 = %broadcast_in_dim3A_35) -> (vector<16xi32>)  : i32 {
        %mul3A_82 = arith.constant 16 : i32
        %mul3A_83 = arith.muli %scan3A_80, %mul3A_82 : i32
        %get3A = arith.index_cast %mul3A_83 : i32 to index
        %get3A_84 = tpu.vector_load %arg7[%get3A] {strides = array<i32>} : memref<6400xi32, #tpu.memory_space<vmem>>, vector<16xi32>,
        %mul3A_85 = arith.constant 16 : i32
        %mul3A_86 = arith.muli %scan3A_80, %mul3A_85 : i32
        %get3A_87 = arith.index_cast %mul3A_86 : i32 to index
        %get3A_88 = tpu.vector_load %arg8[%get3A_87] {strides = array<i32>} : memref<6400xi32, #tpu.memory_space<vmem>>, vector<16xi32>,
        %sub3A = vector.broadcast %mul3A_2 : i32 to vector<16xi32>
        %sub3A_89 = arith.subi %get3A_84, %sub3A : vector<16xi32>
        %ge3A = arith.constant 0 : i32
        %ge3A_90 = vector.broadcast %ge3A : i32 to vector<16xi32>
        %ge3A_91 = arith.cmpi sge, %sub3A_89, %ge3A_90 : vector<16xi32>
        %lt3A = arith.constant 320 : i32
        %lt3A_92 = vector.broadcast %lt3A : i32 to vector<16xi32>
        %lt3A_93 = arith.cmpi slt, %sub3A_89, %lt3A_92 : vector<16xi32>
        %and3A = arith.andi %ge3A_91, %lt3A_93 : vector<16xi1>
        %select_n3A = arith.select %and3A, %broadcast_in_dim3A_11, %broadcast_in_dim3A_13 : vector<16xi1>, vector<16xi32>
        %broadcast_in_dim3A_94 = arith.constant true
        %broadcast_in_dim3A_95 = vector.broadcast %broadcast_in_dim3A_94 : i1 to vector<16xi1>
        %masked_cumsum3A = tpu.scan <sum>, %select_n3A masked %broadcast_in_dim3A_95 : vector<16xi32>, vector<16xi1> -> vector<16xi32>
        %add3A_96 = arith.addi %masked_cumsum3A, %scan3A_81 : vector<16xi32>
        %sub3A_97 = arith.constant 1 : i32
        %sub3A_98 = vector.broadcast %sub3A_97 : i32 to vector<16xi32>
        %sub3A_99 = arith.subi %add3A_96, %sub3A_98 : vector<16xi32>
        tpu.vector_store_idx %arg9[%sub3A_99], %get3A_88 masked %and3A : memref<6464xi32, #tpu.memory_space<vmem>>[vector<16xi32>], vector<16xi32>, vector<16xi1>
        tpu.vector_store_idx %arg10[%sub3A_99], %sub3A_89 masked %and3A : memref<6480xi32, #tpu.memory_space<vmem>>[vector<16xi32>], vector<16xi32>, vector<16xi1>
        %all_reduce_population_count3A = tpu.all_reduce %and3A {dim = 0 : i64, kind = #tpu.reduction_kind<sum>} : vector<16xi1> -> vector<16xi32>
        %add3A_100 = arith.addi %scan3A_81, %all_reduce_population_count3A : vector<16xi32>
        %scan3A_101 = arith.constant 1 : i32
        %scan3A_102 = arith.addi %scan3A_80, %scan3A_101 : i32
        %mul3A_103 = arith.constant 16 : i32
        %mul3A_104 = arith.muli %scan3A_102, %mul3A_103 : i32
        %get3A_105 = arith.index_cast %mul3A_104 : i32 to index
        %get3A_106 = tpu.vector_load %arg7[%get3A_105] {strides = array<i32>} : memref<6400xi32, #tpu.memory_space<vmem>>, vector<16xi32>,
        %mul3A_107 = arith.constant 16 : i32
        %mul3A_108 = arith.muli %scan3A_102, %mul3A_107 : i32
        %get3A_109 = arith.index_cast %mul3A_108 : i32 to index
        %get3A_110 = tpu.vector_load %arg8[%get3A_109] {strides = array<i32>} : memref<6400xi32, #tpu.memory_space<vmem>>, vector<16xi32>,
        %sub3A_111 = vector.broadcast %mul3A_2 : i32 to vector<16xi32>
        %sub3A_112 = arith.subi %get3A_106, %sub3A_111 : vector<16xi32>
        %ge3A_113 = arith.constant 0 : i32
        %ge3A_114 = vector.broadcast %ge3A_113 : i32 to vector<16xi32>
        %ge3A_115 = arith.cmpi sge, %sub3A_112, %ge3A_114 : vector<16xi32>
        %lt3A_116 = arith.constant 320 : i32
        %lt3A_117 = vector.broadcast %lt3A_116 : i32 to vector<16xi32>
        %lt3A_118 = arith.cmpi slt, %sub3A_112, %lt3A_117 : vector<16xi32>
        %and3A_119 = arith.andi %ge3A_115, %lt3A_118 : vector<16xi1>
        %select_n3A_120 = arith.select %and3A_119, %broadcast_in_dim3A_11, %broadcast_in_dim3A_13 : vector<16xi1>, vector<16xi32>
        %broadcast_in_dim3A_121 = arith.constant true
        %broadcast_in_dim3A_122 = vector.broadcast %broadcast_in_dim3A_121 : i1 to vector<16xi1>
        %masked_cumsum3A_123 = tpu.scan <sum>, %select_n3A_120 masked %broadcast_in_dim3A_122 : vector<16xi32>, vector<16xi1> -> vector<16xi32>
        %add3A_124 = arith.addi %masked_cumsum3A_123, %add3A_100 : vector<16xi32>
        %sub3A_125 = arith.constant 1 : i32
        %sub3A_126 = vector.broadcast %sub3A_125 : i32 to vector<16xi32>
        %sub3A_127 = arith.subi %add3A_124, %sub3A_126 : vector<16xi32>
        tpu.vector_store_idx %arg9[%sub3A_127], %get3A_110 masked %and3A_119 : memref<6464xi32, #tpu.memory_space<vmem>>[vector<16xi32>], vector<16xi32>, vector<16xi1>
        tpu.vector_store_idx %arg10[%sub3A_127], %sub3A_112 masked %and3A_119 : memref<6480xi32, #tpu.memory_space<vmem>>[vector<16xi32>], vector<16xi32>, vector<16xi1>
        %all_reduce_population_count3A_128 = tpu.all_reduce %and3A_119 {dim = 0 : i64, kind = #tpu.reduction_kind<sum>} : vector<16xi1> -> vector<16xi32>
        %add3A_129 = arith.addi %add3A_100, %all_reduce_population_count3A_128 : vector<16xi32>
        %scan3A_130 = arith.constant 2 : i32
        %scan3A_131 = arith.addi %scan3A_80, %scan3A_130 : i32
        %mul3A_132 = arith.constant 16 : i32
        %mul3A_133 = arith.muli %scan3A_131, %mul3A_132 : i32
        %get3A_134 = arith.index_cast %mul3A_133 : i32 to index
        %get3A_135 = tpu.vector_load %arg7[%get3A_134] {strides = array<i32>} : memref<6400xi32, #tpu.memory_space<vmem>>, vector<16xi32>,
        %mul3A_136 = arith.constant 16 : i32
        %mul3A_137 = arith.muli %scan3A_131, %mul3A_136 : i32
        %get3A_138 = arith.index_cast %mul3A_137 : i32 to index
        %get3A_139 = tpu.vector_load %arg8[%get3A_138] {strides = array<i32>} : memref<6400xi32, #tpu.memory_space<vmem>>, vector<16xi32>,
        %sub3A_140 = vector.broadcast %mul3A_2 : i32 to vector<16xi32>
        %sub3A_141 = arith.subi %get3A_135, %sub3A_140 : vector<16xi32>
        %ge3A_142 = arith.constant 0 : i32
        %ge3A_143 = vector.broadcast %ge3A_142 : i32 to vector<16xi32>
        %ge3A_144 = arith.cmpi sge, %sub3A_141, %ge3A_143 : vector<16xi32>
        %lt3A_145 = arith.constant 320 : i32
        %lt3A_146 = vector.broadcast %lt3A_145 : i32 to vector<16xi32>
        %lt3A_147 = arith.cmpi slt, %sub3A_141, %lt3A_146 : vector<16xi32>
        %and3A_148 = arith.andi %ge3A_144, %lt3A_147 : vector<16xi1>
        %select_n3A_149 = arith.select %and3A_148, %broadcast_in_dim3A_11, %broadcast_in_dim3A_13 : vector<16xi1>, vector<16xi32>
        %broadcast_in_dim3A_150 = arith.constant true
        %broadcast_in_dim3A_151 = vector.broadcast %broadcast_in_dim3A_150 : i1 to vector<16xi1>
        %masked_cumsum3A_152 = tpu.scan <sum>, %select_n3A_149 masked %broadcast_in_dim3A_151 : vector<16xi32>, vector<16xi1> -> vector<16xi32>
        %add3A_153 = arith.addi %masked_cumsum3A_152, %add3A_129 : vector<16xi32>
        %sub3A_154 = arith.constant 1 : i32
        %sub3A_155 = vector.broadcast %sub3A_154 : i32 to vector<16xi32>
        %sub3A_156 = arith.subi %add3A_153, %sub3A_155 : vector<16xi32>
        tpu.vector_store_idx %arg9[%sub3A_156], %get3A_139 masked %and3A_148 : memref<6464xi32, #tpu.memory_space<vmem>>[vector<16xi32>], vector<16xi32>, vector<16xi1>
        tpu.vector_store_idx %arg10[%sub3A_156], %sub3A_141 masked %and3A_148 : memref<6480xi32, #tpu.memory_space<vmem>>[vector<16xi32>], vector<16xi32>, vector<16xi1>
        %all_reduce_population_count3A_157 = tpu.all_reduce %and3A_148 {dim = 0 : i64, kind = #tpu.reduction_kind<sum>} : vector<16xi1> -> vector<16xi32>
        %add3A_158 = arith.addi %add3A_129, %all_reduce_population_count3A_157 : vector<16xi32>
        %scan3A_159 = arith.constant 3 : i32
        %scan3A_160 = arith.addi %scan3A_80, %scan3A_159 : i32
        %mul3A_161 = arith.constant 16 : i32
        %mul3A_162 = arith.muli %scan3A_160, %mul3A_161 : i32
        %get3A_163 = arith.index_cast %mul3A_162 : i32 to index
        %get3A_164 = tpu.vector_load %arg7[%get3A_163] {strides = array<i32>} : memref<6400xi32, #tpu.memory_space<vmem>>, vector<16xi32>,
        %mul3A_165 = arith.constant 16 : i32
        %mul3A_166 = arith.muli %scan3A_160, %mul3A_165 : i32
        %get3A_167 = arith.index_cast %mul3A_166 : i32 to index
        %get3A_168 = tpu.vector_load %arg8[%get3A_167] {strides = array<i32>} : memref<6400xi32, #tpu.memory_space<vmem>>, vector<16xi32>,
        %sub3A_169 = vector.broadcast %mul3A_2 : i32 to vector<16xi32>
        %sub3A_170 = arith.subi %get3A_164, %sub3A_169 : vector<16xi32>
        %ge3A_171 = arith.constant 0 : i32
        %ge3A_172 = vector.broadcast %ge3A_171 : i32 to vector<16xi32>
        %ge3A_173 = arith.cmpi sge, %sub3A_170, %ge3A_172 : vector<16xi32>
        %lt3A_174 = arith.constant 320 : i32
        %lt3A_175 = vector.broadcast %lt3A_174 : i32 to vector<16xi32>
        %lt3A_176 = arith.cmpi slt, %sub3A_170, %lt3A_175 : vector<16xi32>
        %and3A_177 = arith.andi %ge3A_173, %lt3A_176 : vector<16xi1>
        %select_n3A_178 = arith.select %and3A_177, %broadcast_in_dim3A_11, %broadcast_in_dim3A_13 : vector<16xi1>, vector<16xi32>
        %broadcast_in_dim3A_179 = arith.constant true
        %broadcast_in_dim3A_180 = vector.broadcast %broadcast_in_dim3A_179 : i1 to vector<16xi1>
        %masked_cumsum3A_181 = tpu.scan <sum>, %select_n3A_178 masked %broadcast_in_dim3A_180 : vector<16xi32>, vector<16xi1> -> vector<16xi32>
        %add3A_182 = arith.addi %masked_cumsum3A_181, %add3A_158 : vector<16xi32>
        %sub3A_183 = arith.constant 1 : i32
        %sub3A_184 = vector.broadcast %sub3A_183 : i32 to vector<16xi32>
        %sub3A_185 = arith.subi %add3A_182, %sub3A_184 : vector<16xi32>
        tpu.vector_store_idx %arg9[%sub3A_185], %get3A_168 masked %and3A_177 : memref<6464xi32, #tpu.memory_space<vmem>>[vector<16xi32>], vector<16xi32>, vector<16xi1>
        tpu.vector_store_idx %arg10[%sub3A_185], %sub3A_170 masked %and3A_177 : memref<6480xi32, #tpu.memory_space<vmem>>[vector<16xi32>], vector<16xi32>, vector<16xi1>
        %all_reduce_population_count3A_186 = tpu.all_reduce %and3A_177 {dim = 0 : i64, kind = #tpu.reduction_kind<sum>} : vector<16xi1> -> vector<16xi32>
        %add3A_187 = arith.addi %add3A_158, %all_reduce_population_count3A_186 : vector<16xi32>
        scf.yield %add3A_187 : vector<16xi32>
      }
      %scan3A_41 = arith.constant 400 : i32
      %add3A_42 = arith.constant 0 : i32
      %add3A_43 = vector.broadcast %add3A_42 : i32 to vector<16xi32>
      %add3A_44 = arith.addi %scan3A_40, %add3A_43 : vector<16xi32>
      %add3A_45 = arith.addi %add3A_44, %iota3A : vector<16xi32>
      tpu.vector_store_idx %arg9[%add3A_45], %broadcast_in_dim3A_13 : memref<6464xi32, #tpu.memory_space<vmem>>[vector<16xi32>], vector<16xi32>,
      tpu.vector_store_idx %arg10[%add3A_45], %broadcast_in_dim3A_15 : memref<6480xi32, #tpu.memory_space<vmem>>[vector<16xi32>], vector<16xi32>,
      %add3A_46 = arith.constant 16 : i32
      %add3A_47 = vector.broadcast %add3A_46 : i32 to vector<16xi32>
      %add3A_48 = arith.addi %scan3A_40, %add3A_47 : vector<16xi32>
      %add3A_49 = arith.addi %add3A_48, %iota3A : vector<16xi32>
      tpu.vector_store_idx %arg9[%add3A_49], %broadcast_in_dim3A_13 : memref<6464xi32, #tpu.memory_space<vmem>>[vector<16xi32>], vector<16xi32>,
      tpu.vector_store_idx %arg10[%add3A_49], %broadcast_in_dim3A_15 : memref<6480xi32, #tpu.memory_space<vmem>>[vector<16xi32>], vector<16xi32>,
      %add3A_50 = arith.constant 32 : i32
      %add3A_51 = vector.broadcast %add3A_50 : i32 to vector<16xi32>
      %add3A_52 = arith.addi %scan3A_40, %add3A_51 : vector<16xi32>
      %add3A_53 = arith.addi %add3A_52, %iota3A : vector<16xi32>
      tpu.vector_store_idx %arg9[%add3A_53], %broadcast_in_dim3A_13 : memref<6464xi32, #tpu.memory_space<vmem>>[vector<16xi32>], vector<16xi32>,
      tpu.vector_store_idx %arg10[%add3A_53], %broadcast_in_dim3A_15 : memref<6480xi32, #tpu.memory_space<vmem>>[vector<16xi32>], vector<16xi32>,
      %add3A_54 = arith.constant 48 : i32
      %add3A_55 = vector.broadcast %add3A_54 : i32 to vector<16xi32>
      %add3A_56 = arith.addi %scan3A_40, %add3A_55 : vector<16xi32>
      %add3A_57 = arith.addi %add3A_56, %iota3A : vector<16xi32>
      tpu.vector_store_idx %arg9[%add3A_57], %broadcast_in_dim3A_13 : memref<6464xi32, #tpu.memory_space<vmem>>[vector<16xi32>], vector<16xi32>,
      tpu.vector_store_idx %arg10[%add3A_57], %broadcast_in_dim3A_15 : memref<6480xi32, #tpu.memory_space<vmem>>[vector<16xi32>], vector<16xi32>,
      %reduce_max3A = arith.constant true
      %reduce_max3A_58 = vector.broadcast %reduce_max3A : i1 to vector<16xi1>
      %reduce_max3A_59 = arith.constant -2147483648 : i32
      %reduce_max3A_60 = vector.broadcast %reduce_max3A_59 : i32 to vector<16xi32>
      %reduce_max3A_61 = arith.xori %scan3A_40, %reduce_max3A_60 : vector<16xi32>
      %reduce_max3A_62 = tpu.scan <max>, %reduce_max3A_61 masked %reduce_max3A_58 : vector<16xi32>, vector<16xi1> -> vector<16xi32>
      %reduce_max3A_63 = arith.xori %reduce_max3A_62, %reduce_max3A_60 : vector<16xi32>
      %reduce_max3A_64 = vector.extract %reduce_max3A_63[15] : i32 from vector<16xi32>
      %add3A_65 = arith.constant 63 : i32
      %add3A_66 = arith.addi %reduce_max3A_64, %add3A_65 : i32
      %shift_right_arithmetic3A = arith.constant 6 : i32
      %shift_right_arithmetic3A_67 = arith.shrsi %add3A_66, %shift_right_arithmetic3A : i32
      %while3A = arith.constant 0 : i32
      %while3A_68 = arith.constant 0 : i32
      %while3A_69 = arith.subi %shift_right_arithmetic3A_67, %while3A : i32
      %while3A_70 = arith.addi %while3A, %while3A_69 : i32
      %while3A_71 = arith.constant 1 : i32
      %while3A_72 = arith.divsi %while3A_69, %while3A_71 : i32
      %while3A_73 = arith.muli %while3A_72, %while3A_71 : i32
      %while3A_74 = arith.addi %while3A, %while3A_73 : i32
      %while3A_75 = arith.constant 1 : i32
      %while3A_76 = scf.for %while3A_80 = %while3A to %while3A_74 step %while3A_75 iter_args(%while3A_81 = %while3A_68) -> (i32)  : i32 {
        %mul3A_82 = arith.constant 64 : i32
        %mul3A_83 = arith.muli %while3A_80, %mul3A_82 : i32
        %dma_start3A = tpu.memref_slice %arg9[%mul3A_83] : memref<6464xi32, #tpu.memory_space<vmem>> -> memref<64xi32, #tpu.memory_space<vmem>>
        %dma_start3A_84 = arith.constant 0 : i32
        %dma_start3A_85 = arith.constant 0 : i32
        %dma_start3A_86 = tpu.memref_slice %arg2[%dma_start3A_84, %dma_start3A_85] : memref<10240x128xf32, #tpu.memory_space<hbm>> -> memref<10240x128xf32, #tpu.memory_space<hbm>>
        tpu.enqueue_indirect_dma source(%dma_start3A_86 : memref<10240x128xf32, #tpu.memory_space<hbm>>) target(%arg12 : memref<64x128xf32, #tpu.memory_space<vmem>>) offsets(%dma_start3A : memref<64xi32, #tpu.memory_space<vmem>>) semaphore(%arg14 : memref<!tpu.dma_semaphore, #tpu.memory_space<semaphore_mem>>)
        %dma_wait3A = tpu.memref_slice %arg9[%mul3A_83] : memref<6464xi32, #tpu.memory_space<vmem>> -> memref<64xi32, #tpu.memory_space<vmem>>
        %dma_wait3A_87 = arith.constant 0 : i32
        %dma_wait3A_88 = arith.constant 0 : i32
        %dma_wait3A_89 = tpu.memref_slice %arg2[%dma_wait3A_87, %dma_wait3A_88] : memref<10240x128xf32, #tpu.memory_space<hbm>> -> memref<10240x128xf32, #tpu.memory_space<hbm>>
        tpu.wait_indirect_dma semaphore(%arg14 : memref<!tpu.dma_semaphore, #tpu.memory_space<semaphore_mem>>) src(%dma_wait3A_89 : memref<10240x128xf32, #tpu.memory_space<hbm>>) dst(%arg12 : memref<64x128xf32, #tpu.memory_space<vmem>>)
        %scan3A_90 = arith.constant 0 : i32
        %scan3A_91 = arith.constant 0 : i32
        %scan3A_92 = arith.constant 64 : i32
        %scan3A_93 = arith.addi %scan3A_91, %scan3A_92 : i32
        %scan3A_94 = arith.constant 1 : i32
        %scan3A_95 = scf.for %scan3A_98 = %scan3A_91 to %scan3A_93 step %scan3A_94 iter_args(%scan3A_99 = %scan3A_90) -> (i32)  : i32 {
          %add3A_100 = arith.addi %mul3A_83, %scan3A_98 : i32
          %get3A = arith.index_cast %add3A_100 : i32 to index
          %get3A_101 = tpu.vector_load %arg10[%get3A] {strides = array<i32>} : memref<6480xi32, #tpu.memory_space<vmem>>, vector<16xi32>,
          %slice3A = vector.extract_strided_slice %get3A_101 {offsets = [0], sizes = [1], strides = [1]} : vector<16xi32> to vector<1xi32>
          %squeeze3A = vector.extract %slice3A[0] : i32 from vector<1xi32>
          %shift_left3A = arith.constant 7 : i32
          %shift_left3A_102 = arith.shli %squeeze3A, %shift_left3A : i32
          %add3A_103 = arith.constant 0 : i32
          %add3A_104 = arith.addi %shift_left3A_102, %add3A_103 : i32
          %get3A_105 = arith.index_cast %add3A_104 : i32 to index
          %get3A_106 = tpu.vector_load %arg11[%get3A_105] {strides = array<i32>} : memref<41088xf32, #tpu.memory_space<vmem>>, vector<16xf32>,
          %get3A_107 = arith.index_cast %scan3A_98 : i32 to index
          %get3A_108 = arith.constant 0 : index
          %get3A_109 = tpu.vector_load %arg12[%get3A_107, %get3A_108] {strides = array<i32>} : memref<64x128xf32, #tpu.memory_space<vmem>>, vector<16xf32>,
          %max3A = arith.maximumf %get3A_106, %get3A_109 : vector<16xf32>
          %add3A_110 = arith.constant 0 : i32
          %add3A_111 = arith.addi %shift_left3A_102, %add3A_110 : i32
          %swap3A = arith.index_cast %add3A_111 : i32 to index
          %swap3A_112 = tpu.vector_load %arg11[%swap3A] {strides = array<i32>} : memref<41088xf32, #tpu.memory_space<vmem>>, vector<16xf32>,
          tpu.vector_store %arg11[%swap3A], %max3A {strides = array<i32>} : memref<41088xf32, #tpu.memory_space<vmem>>, vector<16xf32>,
          %add3A_113 = arith.constant 16 : i32
          %add3A_114 = arith.addi %shift_left3A_102, %add3A_113 : i32
          %get3A_115 = arith.index_cast %add3A_114 : i32 to index
          %get3A_116 = tpu.vector_load %arg11[%get3A_115] {strides = array<i32>} : memref<41088xf32, #tpu.memory_space<vmem>>, vector<16xf32>,
          %get3A_117 = arith.index_cast %scan3A_98 : i32 to index
          %get3A_118 = arith.constant 16 : index
          %get3A_119 = tpu.vector_load %arg12[%get3A_117, %get3A_118] {strides = array<i32>} : memref<64x128xf32, #tpu.memory_space<vmem>>, vector<16xf32>,
          %max3A_120 = arith.maximumf %get3A_116, %get3A_119 : vector<16xf32>
          %add3A_121 = arith.constant 16 : i32
          %add3A_122 = arith.addi %shift_left3A_102, %add3A_121 : i32
          %swap3A_123 = arith.index_cast %add3A_122 : i32 to index
          %swap3A_124 = tpu.vector_load %arg11[%swap3A_123] {strides = array<i32>} : memref<41088xf32, #tpu.memory_space<vmem>>, vector<16xf32>,
          tpu.vector_store %arg11[%swap3A_123], %max3A_120 {strides = array<i32>} : memref<41088xf32, #tpu.memory_space<vmem>>, vector<16xf32>,
          %add3A_125 = arith.constant 32 : i32
          %add3A_126 = arith.addi %shift_left3A_102, %add3A_125 : i32
          %get3A_127 = arith.index_cast %add3A_126 : i32 to index
          %get3A_128 = tpu.vector_load %arg11[%get3A_127] {strides = array<i32>} : memref<41088xf32, #tpu.memory_space<vmem>>, vector<16xf32>,
          %get3A_129 = arith.index_cast %scan3A_98 : i32 to index
          %get3A_130 = arith.constant 32 : index
          %get3A_131 = tpu.vector_load %arg12[%get3A_129, %get3A_130] {strides = array<i32>} : memref<64x128xf32, #tpu.memory_space<vmem>>, vector<16xf32>,
          %max3A_132 = arith.maximumf %get3A_128, %get3A_131 : vector<16xf32>
          %add3A_133 = arith.constant 32 : i32
          %add3A_134 = arith.addi %shift_left3A_102, %add3A_133 : i32
          %swap3A_135 = arith.index_cast %add3A_134 : i32 to index
          %swap3A_136 = tpu.vector_load %arg11[%swap3A_135] {strides = array<i32>} : memref<41088xf32, #tpu.memory_space<vmem>>, vector<16xf32>,
          tpu.vector_store %arg11[%swap3A_135], %max3A_132 {strides = array<i32>} : memref<41088xf32, #tpu.memory_space<vmem>>, vector<16xf32>,
          %add3A_137 = arith.constant 48 : i32
          %add3A_138 = arith.addi %shift_left3A_102, %add3A_137 : i32
          %get3A_139 = arith.index_cast %add3A_138 : i32 to index
          %get3A_140 = tpu.vector_load %arg11[%get3A_139] {strides = array<i32>} : memref<41088xf32, #tpu.memory_space<vmem>>, vector<16xf32>,
          %get3A_141 = arith.index_cast %scan3A_98 : i32 to index
          %get3A_142 = arith.constant 48 : index
          %get3A_143 = tpu.vector_load %arg12[%get3A_141, %get3A_142] {strides = array<i32>} : memref<64x128xf32, #tpu.memory_space<vmem>>, vector<16xf32>,
          %max3A_144 = arith.maximumf %get3A_140, %get3A_143 : vector<16xf32>
          %add3A_145 = arith.constant 48 : i32
          %add3A_146 = arith.addi %shift_left3A_102, %add3A_145 : i32
          %swap3A_147 = arith.index_cast %add3A_146 : i32 to index
          %swap3A_148 = tpu.vector_load %arg11[%swap3A_147] {strides = array<i32>} : memref<41088xf32, #tpu.memory_space<vmem>>, vector<16xf32>,
          tpu.vector_store %arg11[%swap3A_147], %max3A_144 {strides = array<i32>} : memref<41088xf32, #tpu.memory_space<vmem>>, vector<16xf32>,
          %add3A_149 = arith.constant 64 : i32
          %add3A_150 = arith.addi %shift_left3A_102, %add3A_149 : i32
          %get3A_151 = arith.index_cast %add3A_150 : i32 to index
          %get3A_152 = tpu.vector_load %arg11[%get3A_151] {strides = array<i32>} : memref<41088xf32, #tpu.memory_space<vmem>>, vector<16xf32>,
          %get3A_153 = arith.index_cast %scan3A_98 : i32 to index
          %get3A_154 = arith.constant 64 : index
          %get3A_155 = tpu.vector_load %arg12[%get3A_153, %get3A_154] {strides = array<i32>} : memref<64x128xf32, #tpu.memory_space<vmem>>, vector<16xf32>,
          %max3A_156 = arith.maximumf %get3A_152, %get3A_155 : vector<16xf32>
          %add3A_157 = arith.constant 64 : i32
          %add3A_158 = arith.addi %shift_left3A_102, %add3A_157 : i32
          %swap3A_159 = arith.index_cast %add3A_158 : i32 to index
          %swap3A_160 = tpu.vector_load %arg11[%swap3A_159] {strides = array<i32>} : memref<41088xf32, #tpu.memory_space<vmem>>, vector<16xf32>,
          tpu.vector_store %arg11[%swap3A_159], %max3A_156 {strides = array<i32>} : memref<41088xf32, #tpu.memory_space<vmem>>, vector<16xf32>,
          %add3A_161 = arith.constant 80 : i32
          %add3A_162 = arith.addi %shift_left3A_102, %add3A_161 : i32
          %get3A_163 = arith.index_cast %add3A_162 : i32 to index
          %get3A_164 = tpu.vector_load %arg11[%get3A_163] {strides = array<i32>} : memref<41088xf32, #tpu.memory_space<vmem>>, vector<16xf32>,
          %get3A_165 = arith.index_cast %scan3A_98 : i32 to index
          %get3A_166 = arith.constant 80 : index
          %get3A_167 = tpu.vector_load %arg12[%get3A_165, %get3A_166] {strides = array<i32>} : memref<64x128xf32, #tpu.memory_space<vmem>>, vector<16xf32>,
          %max3A_168 = arith.maximumf %get3A_164, %get3A_167 : vector<16xf32>
          %add3A_169 = arith.constant 80 : i32
          %add3A_170 = arith.addi %shift_left3A_102, %add3A_169 : i32
          %swap3A_171 = arith.index_cast %add3A_170 : i32 to index
          %swap3A_172 = tpu.vector_load %arg11[%swap3A_171] {strides = array<i32>} : memref<41088xf32, #tpu.memory_space<vmem>>, vector<16xf32>,
          tpu.vector_store %arg11[%swap3A_171], %max3A_168 {strides = array<i32>} : memref<41088xf32, #tpu.memory_space<vmem>>, vector<16xf32>,
          %add3A_173 = arith.constant 96 : i32
          %add3A_174 = arith.addi %shift_left3A_102, %add3A_173 : i32
          %get3A_175 = arith.index_cast %add3A_174 : i32 to index
          %get3A_176 = tpu.vector_load %arg11[%get3A_175] {strides = array<i32>} : memref<41088xf32, #tpu.memory_space<vmem>>, vector<16xf32>,
          %get3A_177 = arith.index_cast %scan3A_98 : i32 to index
          %get3A_178 = arith.constant 96 : index
          %get3A_179 = tpu.vector_load %arg12[%get3A_177, %get3A_178] {strides = array<i32>} : memref<64x128xf32, #tpu.memory_space<vmem>>, vector<16xf32>,
          %max3A_180 = arith.maximumf %get3A_176, %get3A_179 : vector<16xf32>
          %add3A_181 = arith.constant 96 : i32
          %add3A_182 = arith.addi %shift_left3A_102, %add3A_181 : i32
          %swap3A_183 = arith.index_cast %add3A_182 : i32 to index
          %swap3A_184 = tpu.vector_load %arg11[%swap3A_183] {strides = array<i32>} : memref<41088xf32, #tpu.memory_space<vmem>>, vector<16xf32>,
          tpu.vector_store %arg11[%swap3A_183], %max3A_180 {strides = array<i32>} : memref<41088xf32, #tpu.memory_space<vmem>>, vector<16xf32>,
          %add3A_185 = arith.constant 112 : i32
          %add3A_186 = arith.addi %shift_left3A_102, %add3A_185 : i32
          %get3A_187 = arith.index_cast %add3A_186 : i32 to index
          %get3A_188 = tpu.vector_load %arg11[%get3A_187] {strides = array<i32>} : memref<41088xf32, #tpu.memory_space<vmem>>, vector<16xf32>,
          %get3A_189 = arith.index_cast %scan3A_98 : i32 to index
          %get3A_190 = arith.constant 112 : index
          %get3A_191 = tpu.vector_load %arg12[%get3A_189, %get3A_190] {strides = array<i32>} : memref<64x128xf32, #tpu.memory_space<vmem>>, vector<16xf32>,
          %max3A_192 = arith.maximumf %get3A_188, %get3A_191 : vector<16xf32>
          %add3A_193 = arith.constant 112 : i32
          %add3A_194 = arith.addi %shift_left3A_102, %add3A_193 : i32
          %swap3A_195 = arith.index_cast %add3A_194 : i32 to index
          %swap3A_196 = tpu.vector_load %arg11[%swap3A_195] {strides = array<i32>} : memref<41088xf32, #tpu.memory_space<vmem>>, vector<16xf32>,
          tpu.vector_store %arg11[%swap3A_195], %max3A_192 {strides = array<i32>} : memref<41088xf32, #tpu.memory_space<vmem>>, vector<16xf32>,
          %scan3A_197 = arith.constant 0 : i32
          scf.yield %scan3A_197 : i32
        }
        %scan3A_96 = arith.constant 64 : i32
        %while3A_97 = arith.constant 0 : i32
        scf.yield %while3A_97 : i32
      }
      %while3A_77 = arith.constant 1 : i32
      %while3A_78 = scf.for %while3A_80 = %while3A_74 to %while3A_70 step %while3A_77 iter_args(%while3A_81 = %while3A_76) -> (i32)  : i32 {
        %mul3A_82 = arith.constant 64 : i32
        %mul3A_83 = arith.muli %while3A_80, %mul3A_82 : i32
        %dma_start3A = tpu.memref_slice %arg9[%mul3A_83] : memref<6464xi32, #tpu.memory_space<vmem>> -> memref<64xi32, #tpu.memory_space<vmem>>
        %dma_start3A_84 = arith.constant 0 : i32
        %dma_start3A_85 = arith.constant 0 : i32
        %dma_start3A_86 = tpu.memref_slice %arg2[%dma_start3A_84, %dma_start3A_85] : memref<10240x128xf32, #tpu.memory_space<hbm>> -> memref<10240x128xf32, #tpu.memory_space<hbm>>
        tpu.enqueue_indirect_dma source(%dma_start3A_86 : memref<10240x128xf32, #tpu.memory_space<hbm>>) target(%arg12 : memref<64x128xf32, #tpu.memory_space<vmem>>) offsets(%dma_start3A : memref<64xi32, #tpu.memory_space<vmem>>) semaphore(%arg14 : memref<!tpu.dma_semaphore, #tpu.memory_space<semaphore_mem>>)
        %dma_wait3A = tpu.memref_slice %arg9[%mul3A_83] : memref<6464xi32, #tpu.memory_space<vmem>> -> memref<64xi32, #tpu.memory_space<vmem>>
        %dma_wait3A_87 = arith.constant 0 : i32
        %dma_wait3A_88 = arith.constant 0 : i32
        %dma_wait3A_89 = tpu.memref_slice %arg2[%dma_wait3A_87, %dma_wait3A_88] : memref<10240x128xf32, #tpu.memory_space<hbm>> -> memref<10240x128xf32, #tpu.memory_space<hbm>>
        tpu.wait_indirect_dma semaphore(%arg14 : memref<!tpu.dma_semaphore, #tpu.memory_space<semaphore_mem>>) src(%dma_wait3A_89 : memref<10240x128xf32, #tpu.memory_space<hbm>>) dst(%arg12 : memref<64x128xf32, #tpu.memory_space<vmem>>)
        %scan3A_90 = arith.constant 0 : i32
        %scan3A_91 = arith.constant 0 : i32
        %scan3A_92 = arith.constant 64 : i32
        %scan3A_93 = arith.addi %scan3A_91, %scan3A_92 : i32
        %scan3A_94 = arith.constant 1 : i32
        %scan3A_95 = scf.for %scan3A_98 = %scan3A_91 to %scan3A_93 step %scan3A_94 iter_args(%scan3A_99 = %scan3A_90) -> (i32)  : i32 {
          %add3A_100 = arith.addi %mul3A_83, %scan3A_98 : i32
          %get3A = arith.index_cast %add3A_100 : i32 to index
          %get3A_101 = tpu.vector_load %arg10[%get3A] {strides = array<i32>} : memref<6480xi32, #tpu.memory_space<vmem>>, vector<16xi32>,
          %slice3A = vector.extract_strided_slice %get3A_101 {offsets = [0], sizes = [1], strides = [1]} : vector<16xi32> to vector<1xi32>
          %squeeze3A = vector.extract %slice3A[0] : i32 from vector<1xi32>
          %shift_left3A = arith.constant 7 : i32
          %shift_left3A_102 = arith.shli %squeeze3A, %shift_left3A : i32
          %add3A_103 = arith.constant 0 : i32
          %add3A_104 = arith.addi %shift_left3A_102, %add3A_103 : i32
          %get3A_105 = arith.index_cast %add3A_104 : i32 to index
          %get3A_106 = tpu.vector_load %arg11[%get3A_105] {strides = array<i32>} : memref<41088xf32, #tpu.memory_space<vmem>>, vector<16xf32>,
          %get3A_107 = arith.index_cast %scan3A_98 : i32 to index
          %get3A_108 = arith.constant 0 : index
          %get3A_109 = tpu.vector_load %arg12[%get3A_107, %get3A_108] {strides = array<i32>} : memref<64x128xf32, #tpu.memory_space<vmem>>, vector<16xf32>,
          %max3A = arith.maximumf %get3A_106, %get3A_109 : vector<16xf32>
          %add3A_110 = arith.constant 0 : i32
          %add3A_111 = arith.addi %shift_left3A_102, %add3A_110 : i32
          %swap3A = arith.index_cast %add3A_111 : i32 to index
          %swap3A_112 = tpu.vector_load %arg11[%swap3A] {strides = array<i32>} : memref<41088xf32, #tpu.memory_space<vmem>>, vector<16xf32>,
          tpu.vector_store %arg11[%swap3A], %max3A {strides = array<i32>} : memref<41088xf32, #tpu.memory_space<vmem>>, vector<16xf32>,
          %add3A_113 = arith.constant 16 : i32
          %add3A_114 = arith.addi %shift_left3A_102, %add3A_113 : i32
          %get3A_115 = arith.index_cast %add3A_114 : i32 to index
          %get3A_116 = tpu.vector_load %arg11[%get3A_115] {strides = array<i32>} : memref<41088xf32, #tpu.memory_space<vmem>>, vector<16xf32>,
          %get3A_117 = arith.index_cast %scan3A_98 : i32 to index
          %get3A_118 = arith.constant 16 : index
          %get3A_119 = tpu.vector_load %arg12[%get3A_117, %get3A_118] {strides = array<i32>} : memref<64x128xf32, #tpu.memory_space<vmem>>, vector<16xf32>,
          %max3A_120 = arith.maximumf %get3A_116, %get3A_119 : vector<16xf32>
          %add3A_121 = arith.constant 16 : i32
          %add3A_122 = arith.addi %shift_left3A_102, %add3A_121 : i32
          %swap3A_123 = arith.index_cast %add3A_122 : i32 to index
          %swap3A_124 = tpu.vector_load %arg11[%swap3A_123] {strides = array<i32>} : memref<41088xf32, #tpu.memory_space<vmem>>, vector<16xf32>,
          tpu.vector_store %arg11[%swap3A_123], %max3A_120 {strides = array<i32>} : memref<41088xf32, #tpu.memory_space<vmem>>, vector<16xf32>,
          %add3A_125 = arith.constant 32 : i32
          %add3A_126 = arith.addi %shift_left3A_102, %add3A_125 : i32
          %get3A_127 = arith.index_cast %add3A_126 : i32 to index
          %get3A_128 = tpu.vector_load %arg11[%get3A_127] {strides = array<i32>} : memref<41088xf32, #tpu.memory_space<vmem>>, vector<16xf32>,
          %get3A_129 = arith.index_cast %scan3A_98 : i32 to index
          %get3A_130 = arith.constant 32 : index
          %get3A_131 = tpu.vector_load %arg12[%get3A_129, %get3A_130] {strides = array<i32>} : memref<64x128xf32, #tpu.memory_space<vmem>>, vector<16xf32>,
          %max3A_132 = arith.maximumf %get3A_128, %get3A_131 : vector<16xf32>
          %add3A_133 = arith.constant 32 : i32
          %add3A_134 = arith.addi %shift_left3A_102, %add3A_133 : i32
          %swap3A_135 = arith.index_cast %add3A_134 : i32 to index
          %swap3A_136 = tpu.vector_load %arg11[%swap3A_135] {strides = array<i32>} : memref<41088xf32, #tpu.memory_space<vmem>>, vector<16xf32>,
          tpu.vector_store %arg11[%swap3A_135], %max3A_132 {strides = array<i32>} : memref<41088xf32, #tpu.memory_space<vmem>>, vector<16xf32>,
          %add3A_137 = arith.constant 48 : i32
          %add3A_138 = arith.addi %shift_left3A_102, %add3A_137 : i32
          %get3A_139 = arith.index_cast %add3A_138 : i32 to index
          %get3A_140 = tpu.vector_load %arg11[%get3A_139] {strides = array<i32>} : memref<41088xf32, #tpu.memory_space<vmem>>, vector<16xf32>,
          %get3A_141 = arith.index_cast %scan3A_98 : i32 to index
          %get3A_142 = arith.constant 48 : index
          %get3A_143 = tpu.vector_load %arg12[%get3A_141, %get3A_142] {strides = array<i32>} : memref<64x128xf32, #tpu.memory_space<vmem>>, vector<16xf32>,
          %max3A_144 = arith.maximumf %get3A_140, %get3A_143 : vector<16xf32>
          %add3A_145 = arith.constant 48 : i32
          %add3A_146 = arith.addi %shift_left3A_102, %add3A_145 : i32
          %swap3A_147 = arith.index_cast %add3A_146 : i32 to index
          %swap3A_148 = tpu.vector_load %arg11[%swap3A_147] {strides = array<i32>} : memref<41088xf32, #tpu.memory_space<vmem>>, vector<16xf32>,
          tpu.vector_store %arg11[%swap3A_147], %max3A_144 {strides = array<i32>} : memref<41088xf32, #tpu.memory_space<vmem>>, vector<16xf32>,
          %add3A_149 = arith.constant 64 : i32
          %add3A_150 = arith.addi %shift_left3A_102, %add3A_149 : i32
          %get3A_151 = arith.index_cast %add3A_150 : i32 to index
          %get3A_152 = tpu.vector_load %arg11[%get3A_151] {strides = array<i32>} : memref<41088xf32, #tpu.memory_space<vmem>>, vector<16xf32>,
          %get3A_153 = arith.index_cast %scan3A_98 : i32 to index
          %get3A_154 = arith.constant 64 : index
          %get3A_155 = tpu.vector_load %arg12[%get3A_153, %get3A_154] {strides = array<i32>} : memref<64x128xf32, #tpu.memory_space<vmem>>, vector<16xf32>,
          %max3A_156 = arith.maximumf %get3A_152, %get3A_155 : vector<16xf32>
          %add3A_157 = arith.constant 64 : i32
          %add3A_158 = arith.addi %shift_left3A_102, %add3A_157 : i32
          %swap3A_159 = arith.index_cast %add3A_158 : i32 to index
          %swap3A_160 = tpu.vector_load %arg11[%swap3A_159] {strides = array<i32>} : memref<41088xf32, #tpu.memory_space<vmem>>, vector<16xf32>,
          tpu.vector_store %arg11[%swap3A_159], %max3A_156 {strides = array<i32>} : memref<41088xf32, #tpu.memory_space<vmem>>, vector<16xf32>,
          %add3A_161 = arith.constant 80 : i32
          %add3A_162 = arith.addi %shift_left3A_102, %add3A_161 : i32
          %get3A_163 = arith.index_cast %add3A_162 : i32 to index
          %get3A_164 = tpu.vector_load %arg11[%get3A_163] {strides = array<i32>} : memref<41088xf32, #tpu.memory_space<vmem>>, vector<16xf32>,
          %get3A_165 = arith.index_cast %scan3A_98 : i32 to index
          %get3A_166 = arith.constant 80 : index
          %get3A_167 = tpu.vector_load %arg12[%get3A_165, %get3A_166] {strides = array<i32>} : memref<64x128xf32, #tpu.memory_space<vmem>>, vector<16xf32>,
          %max3A_168 = arith.maximumf %get3A_164, %get3A_167 : vector<16xf32>
          %add3A_169 = arith.constant 80 : i32
          %add3A_170 = arith.addi %shift_left3A_102, %add3A_169 : i32
          %swap3A_171 = arith.index_cast %add3A_170 : i32 to index
          %swap3A_172 = tpu.vector_load %arg11[%swap3A_171] {strides = array<i32>} : memref<41088xf32, #tpu.memory_space<vmem>>, vector<16xf32>,
          tpu.vector_store %arg11[%swap3A_171], %max3A_168 {strides = array<i32>} : memref<41088xf32, #tpu.memory_space<vmem>>, vector<16xf32>,
          %add3A_173 = arith.constant 96 : i32
          %add3A_174 = arith.addi %shift_left3A_102, %add3A_173 : i32
          %get3A_175 = arith.index_cast %add3A_174 : i32 to index
          %get3A_176 = tpu.vector_load %arg11[%get3A_175] {strides = array<i32>} : memref<41088xf32, #tpu.memory_space<vmem>>, vector<16xf32>,
          %get3A_177 = arith.index_cast %scan3A_98 : i32 to index
          %get3A_178 = arith.constant 96 : index
          %get3A_179 = tpu.vector_load %arg12[%get3A_177, %get3A_178] {strides = array<i32>} : memref<64x128xf32, #tpu.memory_space<vmem>>, vector<16xf32>,
          %max3A_180 = arith.maximumf %get3A_176, %get3A_179 : vector<16xf32>
          %add3A_181 = arith.constant 96 : i32
          %add3A_182 = arith.addi %shift_left3A_102, %add3A_181 : i32
          %swap3A_183 = arith.index_cast %add3A_182 : i32 to index
          %swap3A_184 = tpu.vector_load %arg11[%swap3A_183] {strides = array<i32>} : memref<41088xf32, #tpu.memory_space<vmem>>, vector<16xf32>,
          tpu.vector_store %arg11[%swap3A_183], %max3A_180 {strides = array<i32>} : memref<41088xf32, #tpu.memory_space<vmem>>, vector<16xf32>,
          %add3A_185 = arith.constant 112 : i32
          %add3A_186 = arith.addi %shift_left3A_102, %add3A_185 : i32
          %get3A_187 = arith.index_cast %add3A_186 : i32 to index
          %get3A_188 = tpu.vector_load %arg11[%get3A_187] {strides = array<i32>} : memref<41088xf32, #tpu.memory_space<vmem>>, vector<16xf32>,
          %get3A_189 = arith.index_cast %scan3A_98 : i32 to index
          %get3A_190 = arith.constant 112 : index
          %get3A_191 = tpu.vector_load %arg12[%get3A_189, %get3A_190] {strides = array<i32>} : memref<64x128xf32, #tpu.memory_space<vmem>>, vector<16xf32>,
          %max3A_192 = arith.maximumf %get3A_188, %get3A_191 : vector<16xf32>
          %add3A_193 = arith.constant 112 : i32
          %add3A_194 = arith.addi %shift_left3A_102, %add3A_193 : i32
          %swap3A_195 = arith.index_cast %add3A_194 : i32 to index
          %swap3A_196 = tpu.vector_load %arg11[%swap3A_195] {strides = array<i32>} : memref<41088xf32, #tpu.memory_space<vmem>>, vector<16xf32>,
          tpu.vector_store %arg11[%swap3A_195], %max3A_192 {strides = array<i32>} : memref<41088xf32, #tpu.memory_space<vmem>>, vector<16xf32>,
          %scan3A_197 = arith.constant 0 : i32
          scf.yield %scan3A_197 : i32
        }
        %scan3A_96 = arith.constant 64 : i32
        %while3A_97 = arith.constant 0 : i32
        scf.yield %while3A_97 : i32
      }
      %scan3A_79 = arith.constant 0 : i32
      scf.yield %scan3A_79 : i32
    }
    %scan3A_22 = arith.constant 50 : i32
    %scan3A_23 = arith.constant 0 : i32
    %scan3A_24 = arith.constant 0 : i32
    %scan3A_25 = arith.constant 10 : i32
    %scan3A_26 = arith.addi %scan3A_24, %scan3A_25 : i32
    %scan3A_27 = arith.constant 1 : i32
    %scan3A_28 = scf.for %scan3A_30 = %scan3A_24 to %scan3A_26 step %scan3A_27 iter_args(%scan3A_31 = %scan3A_23) -> (i32)  : i32 {
      %mul3A_32 = arith.constant 32 : i32
      %mul3A_33 = arith.muli %scan3A_30, %mul3A_32 : i32
      %add3A_34 = arith.addi %mul3A_2, %mul3A_33 : i32
      "tpu.region"() ({
        %run_scoped3A = tpu.sem_alloc : memref<!tpu.dma_semaphore, #tpu.memory_space<semaphore_mem>>
        %dma_start3A = arith.constant 0 : i32
        %dma_start3A_43 = tpu.memref_slice %arg3[%add3A_34, %dma_start3A] : memref<10240x128xf32, #tpu.memory_space<hbm>> -> memref<32x128xf32, #tpu.memory_space<hbm>>
        %dma_start3A_44 = arith.constant 0 : i32
        %dma_start3A_45 = tpu.memref_slice %arg3[%add3A_34, %dma_start3A_44] : memref<10240x128xf32, #tpu.memory_space<hbm>> -> memref<32x128xf32, #tpu.memory_space<hbm>>
        tpu.enqueue_dma source(%dma_start3A_45 : memref<32x128xf32, #tpu.memory_space<hbm>>) target(%arg13 : memref<32x128xf32, #tpu.memory_space<vmem>>) target_semaphore(%run_scoped3A : memref<!tpu.dma_semaphore, #tpu.memory_space<semaphore_mem>>)
        %dma_wait3A = arith.constant 0 : i32
        %dma_wait3A_46 = tpu.memref_slice %arg3[%add3A_34, %dma_wait3A] : memref<10240x128xf32, #tpu.memory_space<hbm>> -> memref<32x128xf32, #tpu.memory_space<hbm>>
        %dma_wait3A_47 = arith.constant 0 : i32
        %dma_wait3A_48 = tpu.memref_slice %arg3[%add3A_34, %dma_wait3A_47] : memref<10240x128xf32, #tpu.memory_space<hbm>> -> memref<32x128xf32, #tpu.memory_space<hbm>>
        tpu.wait_dma2 semaphore(%run_scoped3A : memref<!tpu.dma_semaphore, #tpu.memory_space<semaphore_mem>>) src(%dma_wait3A_48 : memref<32x128xf32, #tpu.memory_space<hbm>>) dst(%arg13 : memref<32x128xf32, #tpu.memory_space<vmem>>)
        tpu.yield
      }) : () -> ()
      %scan3A_35 = arith.constant 0 : i32
      %scan3A_36 = arith.constant 0 : i32
      %scan3A_37 = arith.constant 32 : i32
      %scan3A_38 = arith.addi %scan3A_36, %scan3A_37 : i32
      %scan3A_39 = arith.constant 1 : i32
      %scan3A_40 = scf.for %scan3A_43 = %scan3A_36 to %scan3A_38 step %scan3A_39 iter_args(%scan3A_44 = %scan3A_35) -> (i32)  : i32 {
        %mul3A_45 = arith.constant 32 : i32
        %mul3A_46 = arith.muli %scan3A_30, %mul3A_45 : i32
        %add3A_47 = arith.addi %mul3A_46, %scan3A_43 : i32
        %mul3A_48 = arith.constant 128 : i32
        %mul3A_49 = arith.muli %add3A_47, %mul3A_48 : i32
        %get3A = arith.index_cast %scan3A_43 : i32 to index
        %get3A_50 = arith.constant 0 : index
        %get3A_51 = tpu.vector_load %arg13[%get3A, %get3A_50] {strides = array<i32>} : memref<32x128xf32, #tpu.memory_space<vmem>>, vector<16xf32>,
        %add3A_52 = arith.constant 0 : i32
        %add3A_53 = arith.addi %mul3A_49, %add3A_52 : i32
        %get3A_54 = arith.index_cast %add3A_53 : i32 to index
        %get3A_55 = tpu.vector_load %arg11[%get3A_54] {strides = array<i32>} : memref<41088xf32, #tpu.memory_space<vmem>>, vector<16xf32>,
        %add3A_56 = arith.addf %get3A_51, %get3A_55 : vector<16xf32>
        %max3A = arith.constant 0.000000e+00 : f32
        %max3A_57 = vector.broadcast %max3A : f32 to vector<16xf32>
        %max3A_58 = arith.maximumf %add3A_56, %max3A_57 : vector<16xf32>
        %swap3A = arith.index_cast %scan3A_43 : i32 to index
        %swap3A_59 = arith.constant 0 : index
        %swap3A_60 = tpu.vector_load %arg13[%swap3A, %swap3A_59] {strides = array<i32>} : memref<32x128xf32, #tpu.memory_space<vmem>>, vector<16xf32>,
        tpu.vector_store %arg13[%swap3A, %swap3A_59], %max3A_58 {strides = array<i32>} : memref<32x128xf32, #tpu.memory_space<vmem>>, vector<16xf32>,
        %get3A_61 = arith.index_cast %scan3A_43 : i32 to index
        %get3A_62 = arith.constant 16 : index
        %get3A_63 = tpu.vector_load %arg13[%get3A_61, %get3A_62] {strides = array<i32>} : memref<32x128xf32, #tpu.memory_space<vmem>>, vector<16xf32>,
        %add3A_64 = arith.constant 16 : i32
        %add3A_65 = arith.addi %mul3A_49, %add3A_64 : i32
        %get3A_66 = arith.index_cast %add3A_65 : i32 to index
        %get3A_67 = tpu.vector_load %arg11[%get3A_66] {strides = array<i32>} : memref<41088xf32, #tpu.memory_space<vmem>>, vector<16xf32>,
        %add3A_68 = arith.addf %get3A_63, %get3A_67 : vector<16xf32>
        %max3A_69 = arith.constant 0.000000e+00 : f32
        %max3A_70 = vector.broadcast %max3A_69 : f32 to vector<16xf32>
        %max3A_71 = arith.maximumf %add3A_68, %max3A_70 : vector<16xf32>
        %swap3A_72 = arith.index_cast %scan3A_43 : i32 to index
        %swap3A_73 = arith.constant 16 : index
        %swap3A_74 = tpu.vector_load %arg13[%swap3A_72, %swap3A_73] {strides = array<i32>} : memref<32x128xf32, #tpu.memory_space<vmem>>, vector<16xf32>,
        tpu.vector_store %arg13[%swap3A_72, %swap3A_73], %max3A_71 {strides = array<i32>} : memref<32x128xf32, #tpu.memory_space<vmem>>, vector<16xf32>,
        %get3A_75 = arith.index_cast %scan3A_43 : i32 to index
        %get3A_76 = arith.constant 32 : index
        %get3A_77 = tpu.vector_load %arg13[%get3A_75, %get3A_76] {strides = array<i32>} : memref<32x128xf32, #tpu.memory_space<vmem>>, vector<16xf32>,
        %add3A_78 = arith.constant 32 : i32
        %add3A_79 = arith.addi %mul3A_49, %add3A_78 : i32
        %get3A_80 = arith.index_cast %add3A_79 : i32 to index
        %get3A_81 = tpu.vector_load %arg11[%get3A_80] {strides = array<i32>} : memref<41088xf32, #tpu.memory_space<vmem>>, vector<16xf32>,
        %add3A_82 = arith.addf %get3A_77, %get3A_81 : vector<16xf32>
        %max3A_83 = arith.constant 0.000000e+00 : f32
        %max3A_84 = vector.broadcast %max3A_83 : f32 to vector<16xf32>
        %max3A_85 = arith.maximumf %add3A_82, %max3A_84 : vector<16xf32>
        %swap3A_86 = arith.index_cast %scan3A_43 : i32 to index
        %swap3A_87 = arith.constant 32 : index
        %swap3A_88 = tpu.vector_load %arg13[%swap3A_86, %swap3A_87] {strides = array<i32>} : memref<32x128xf32, #tpu.memory_space<vmem>>, vector<16xf32>,
        tpu.vector_store %arg13[%swap3A_86, %swap3A_87], %max3A_85 {strides = array<i32>} : memref<32x128xf32, #tpu.memory_space<vmem>>, vector<16xf32>,
        %get3A_89 = arith.index_cast %scan3A_43 : i32 to index
        %get3A_90 = arith.constant 48 : index
        %get3A_91 = tpu.vector_load %arg13[%get3A_89, %get3A_90] {strides = array<i32>} : memref<32x128xf32, #tpu.memory_space<vmem>>, vector<16xf32>,
        %add3A_92 = arith.constant 48 : i32
        %add3A_93 = arith.addi %mul3A_49, %add3A_92 : i32
        %get3A_94 = arith.index_cast %add3A_93 : i32 to index
        %get3A_95 = tpu.vector_load %arg11[%get3A_94] {strides = array<i32>} : memref<41088xf32, #tpu.memory_space<vmem>>, vector<16xf32>,
        %add3A_96 = arith.addf %get3A_91, %get3A_95 : vector<16xf32>
        %max3A_97 = arith.constant 0.000000e+00 : f32
        %max3A_98 = vector.broadcast %max3A_97 : f32 to vector<16xf32>
        %max3A_99 = arith.maximumf %add3A_96, %max3A_98 : vector<16xf32>
        %swap3A_100 = arith.index_cast %scan3A_43 : i32 to index
        %swap3A_101 = arith.constant 48 : index
        %swap3A_102 = tpu.vector_load %arg13[%swap3A_100, %swap3A_101] {strides = array<i32>} : memref<32x128xf32, #tpu.memory_space<vmem>>, vector<16xf32>,
        tpu.vector_store %arg13[%swap3A_100, %swap3A_101], %max3A_99 {strides = array<i32>} : memref<32x128xf32, #tpu.memory_space<vmem>>, vector<16xf32>,
        %get3A_103 = arith.index_cast %scan3A_43 : i32 to index
        %get3A_104 = arith.constant 64 : index
        %get3A_105 = tpu.vector_load %arg13[%get3A_103, %get3A_104] {strides = array<i32>} : memref<32x128xf32, #tpu.memory_space<vmem>>, vector<16xf32>,
        %add3A_106 = arith.constant 64 : i32
        %add3A_107 = arith.addi %mul3A_49, %add3A_106 : i32
        %get3A_108 = arith.index_cast %add3A_107 : i32 to index
        %get3A_109 = tpu.vector_load %arg11[%get3A_108] {strides = array<i32>} : memref<41088xf32, #tpu.memory_space<vmem>>, vector<16xf32>,
        %add3A_110 = arith.addf %get3A_105, %get3A_109 : vector<16xf32>
        %max3A_111 = arith.constant 0.000000e+00 : f32
        %max3A_112 = vector.broadcast %max3A_111 : f32 to vector<16xf32>
        %max3A_113 = arith.maximumf %add3A_110, %max3A_112 : vector<16xf32>
        %swap3A_114 = arith.index_cast %scan3A_43 : i32 to index
        %swap3A_115 = arith.constant 64 : index
        %swap3A_116 = tpu.vector_load %arg13[%swap3A_114, %swap3A_115] {strides = array<i32>} : memref<32x128xf32, #tpu.memory_space<vmem>>, vector<16xf32>,
        tpu.vector_store %arg13[%swap3A_114, %swap3A_115], %max3A_113 {strides = array<i32>} : memref<32x128xf32, #tpu.memory_space<vmem>>, vector<16xf32>,
        %get3A_117 = arith.index_cast %scan3A_43 : i32 to index
        %get3A_118 = arith.constant 80 : index
        %get3A_119 = tpu.vector_load %arg13[%get3A_117, %get3A_118] {strides = array<i32>} : memref<32x128xf32, #tpu.memory_space<vmem>>, vector<16xf32>,
        %add3A_120 = arith.constant 80 : i32
        %add3A_121 = arith.addi %mul3A_49, %add3A_120 : i32
        %get3A_122 = arith.index_cast %add3A_121 : i32 to index
        %get3A_123 = tpu.vector_load %arg11[%get3A_122] {strides = array<i32>} : memref<41088xf32, #tpu.memory_space<vmem>>, vector<16xf32>,
        %add3A_124 = arith.addf %get3A_119, %get3A_123 : vector<16xf32>
        %max3A_125 = arith.constant 0.000000e+00 : f32
        %max3A_126 = vector.broadcast %max3A_125 : f32 to vector<16xf32>
        %max3A_127 = arith.maximumf %add3A_124, %max3A_126 : vector<16xf32>
        %swap3A_128 = arith.index_cast %scan3A_43 : i32 to index
        %swap3A_129 = arith.constant 80 : index
        %swap3A_130 = tpu.vector_load %arg13[%swap3A_128, %swap3A_129] {strides = array<i32>} : memref<32x128xf32, #tpu.memory_space<vmem>>, vector<16xf32>,
        tpu.vector_store %arg13[%swap3A_128, %swap3A_129], %max3A_127 {strides = array<i32>} : memref<32x128xf32, #tpu.memory_space<vmem>>, vector<16xf32>,
        %get3A_131 = arith.index_cast %scan3A_43 : i32 to index
        %get3A_132 = arith.constant 96 : index
        %get3A_133 = tpu.vector_load %arg13[%get3A_131, %get3A_132] {strides = array<i32>} : memref<32x128xf32, #tpu.memory_space<vmem>>, vector<16xf32>,
        %add3A_134 = arith.constant 96 : i32
        %add3A_135 = arith.addi %mul3A_49, %add3A_134 : i32
        %get3A_136 = arith.index_cast %add3A_135 : i32 to index
        %get3A_137 = tpu.vector_load %arg11[%get3A_136] {strides = array<i32>} : memref<41088xf32, #tpu.memory_space<vmem>>, vector<16xf32>,
        %add3A_138 = arith.addf %get3A_133, %get3A_137 : vector<16xf32>
        %max3A_139 = arith.constant 0.000000e+00 : f32
        %max3A_140 = vector.broadcast %max3A_139 : f32 to vector<16xf32>
        %max3A_141 = arith.maximumf %add3A_138, %max3A_140 : vector<16xf32>
        %swap3A_142 = arith.index_cast %scan3A_43 : i32 to index
        %swap3A_143 = arith.constant 96 : index
        %swap3A_144 = tpu.vector_load %arg13[%swap3A_142, %swap3A_143] {strides = array<i32>} : memref<32x128xf32, #tpu.memory_space<vmem>>, vector<16xf32>,
        tpu.vector_store %arg13[%swap3A_142, %swap3A_143], %max3A_141 {strides = array<i32>} : memref<32x128xf32, #tpu.memory_space<vmem>>, vector<16xf32>,
        %get3A_145 = arith.index_cast %scan3A_43 : i32 to index
        %get3A_146 = arith.constant 112 : index
        %get3A_147 = tpu.vector_load %arg13[%get3A_145, %get3A_146] {strides = array<i32>} : memref<32x128xf32, #tpu.memory_space<vmem>>, vector<16xf32>,
        %add3A_148 = arith.constant 112 : i32
        %add3A_149 = arith.addi %mul3A_49, %add3A_148 : i32
        %get3A_150 = arith.index_cast %add3A_149 : i32 to index
        %get3A_151 = tpu.vector_load %arg11[%get3A_150] {strides = array<i32>} : memref<41088xf32, #tpu.memory_space<vmem>>, vector<16xf32>,
        %add3A_152 = arith.addf %get3A_147, %get3A_151 : vector<16xf32>
        %max3A_153 = arith.constant 0.000000e+00 : f32
        %max3A_154 = vector.broadcast %max3A_153 : f32 to vector<16xf32>
        %max3A_155 = arith.maximumf %add3A_152, %max3A_154 : vector<16xf32>
        %swap3A_156 = arith.index_cast %scan3A_43 : i32 to index
        %swap3A_157 = arith.constant 112 : index
        %swap3A_158 = tpu.vector_load %arg13[%swap3A_156, %swap3A_157] {strides = array<i32>} : memref<32x128xf32, #tpu.memory_space<vmem>>, vector<16xf32>,
        tpu.vector_store %arg13[%swap3A_156, %swap3A_157], %max3A_155 {strides = array<i32>} : memref<32x128xf32, #tpu.memory_space<vmem>>, vector<16xf32>,
        %scan3A_159 = arith.constant 0 : i32
        scf.yield %scan3A_159 : i32
      }
      %scan3A_41 = arith.constant 32 : i32
      "tpu.region"() ({
        %run_scoped3A = tpu.sem_alloc : memref<!tpu.dma_semaphore, #tpu.memory_space<semaphore_mem>>
        %dma_start3A = arith.constant 0 : i32
        %dma_start3A_43 = tpu.memref_slice %arg6[%add3A_34, %dma_start3A] : memref<10240x128xf32, #tpu.memory_space<hbm>> -> memref<32x128xf32, #tpu.memory_space<hbm>>
        %dma_start3A_44 = arith.constant 0 : i32
        %dma_start3A_45 = tpu.memref_slice %arg6[%add3A_34, %dma_start3A_44] : memref<10240x128xf32, #tpu.memory_space<hbm>> -> memref<32x128xf32, #tpu.memory_space<hbm>>
        tpu.enqueue_dma source(%arg13 : memref<32x128xf32, #tpu.memory_space<vmem>>) target(%dma_start3A_45 : memref<32x128xf32, #tpu.memory_space<hbm>>) target_semaphore(%run_scoped3A : memref<!tpu.dma_semaphore, #tpu.memory_space<semaphore_mem>>)
        %dma_wait3A = arith.constant 0 : i32
        %dma_wait3A_46 = tpu.memref_slice %arg6[%add3A_34, %dma_wait3A] : memref<10240x128xf32, #tpu.memory_space<hbm>> -> memref<32x128xf32, #tpu.memory_space<hbm>>
        %dma_wait3A_47 = arith.constant 0 : i32
        %dma_wait3A_48 = tpu.memref_slice %arg6[%add3A_34, %dma_wait3A_47] : memref<10240x128xf32, #tpu.memory_space<hbm>> -> memref<32x128xf32, #tpu.memory_space<hbm>>
        tpu.wait_dma2 semaphore(%run_scoped3A : memref<!tpu.dma_semaphore, #tpu.memory_space<semaphore_mem>>) src(%arg13 : memref<32x128xf32, #tpu.memory_space<vmem>>) dst(%dma_wait3A_48 : memref<32x128xf32, #tpu.memory_space<hbm>>)
        tpu.yield
      }) : () -> ()
      %scan3A_42 = arith.constant 0 : i32
      scf.yield %scan3A_42 : i32
    }
    %scan3A_29 = arith.constant 10 : i32
    return
  }
}

module attributes {stable_mosaic.version = 14 : i64} {
  func.func @_mm_body(%arg0: i32, %arg1: memref<2048x128xf32, #tpu.memory_space<vmem>>, %arg2: memref<256x128xf32, #tpu.memory_space<vmem>>, %arg3: memref<1x128xf32, #tpu.memory_space<vmem>>, %arg4: memref<2048x128xf32, #tpu.memory_space<vmem>>, %arg5: memref<2048x128xf32, #tpu.memory_space<vmem>>) attributes {dimension_semantics = [#tpu.dimension_semantics<arbitrary>], iteration_bounds = array<i64: 5>, scalar_prefetch = 0 : i64, scratch_operands = 0 : i64, tpu.core_type = #tpu.core_type<tc>, window_params = [{transform_indices = @transform_0, window_bounds = array<i64: 2048, 128>}, {pipeline_mode = #tpu.pipeline_mode<synchronous>, transform_indices = @transform_1, window_bounds = array<i64: 256, 128>}, {pipeline_mode = #tpu.pipeline_mode<synchronous>, transform_indices = @transform_2, window_bounds = array<i64: 1, 128>}, {transform_indices = @transform_3, window_bounds = array<i64: 2048, 128>}, {transform_indices = @transform_4, window_bounds = array<i64: 2048, 128>}]} {
    %get3A = arith.constant 0 : index
    %get3A_0 = arith.constant 0 : index
    %get3A_1 = vector.load %arg1[%get3A, %get3A_0] : memref<2048x128xf32, #tpu.memory_space<vmem>>, vector<2048x128xf32>
    %get3A_2 = arith.constant 0 : index
    %get3A_3 = arith.constant 0 : index
    %get3A_4 = vector.load %arg2[%get3A_2, %get3A_3] : memref<256x128xf32, #tpu.memory_space<vmem>>, vector<128x128xf32>
    %get3A_5 = arith.constant 128 : index
    %get3A_6 = arith.constant 0 : index
    %get3A_7 = vector.load %arg2[%get3A_5, %get3A_6] : memref<256x128xf32, #tpu.memory_space<vmem>>, vector<128x128xf32>
    %dot_general3A = arith.constant dense<0.000000e+00> : vector<2048x128xf32>
    %dot_general3A_8 = tpu.matmul %get3A_1, %get3A_7, %dot_general3A {dimension_numbers = #tpu.dot_dimension_numbers<[1], [0], [0], [1], [0, 0, 1, 1], [], []>, transpose_lhs_hint = false} : vector<2048x128xf32>, vector<128x128xf32>, vector<2048x128xf32> -> vector<2048x128xf32>
    %swap3A = arith.constant 0 : index
    %swap3A_9 = arith.constant 0 : index
    %swap3A_10 = vector.load %arg5[%swap3A, %swap3A_9] : memref<2048x128xf32, #tpu.memory_space<vmem>>, vector<2048x128xf32>
    tpu.vector_store %arg5[%swap3A, %swap3A_9], %dot_general3A_8 {strides = array<i32>} : memref<2048x128xf32, #tpu.memory_space<vmem>>, vector<2048x128xf32>,
    %sub3A = arith.subf %get3A_4, %get3A_7 : vector<128x128xf32>
    %dot_general3A_11 = arith.constant dense<0.000000e+00> : vector<2048x128xf32>
    %dot_general3A_12 = tpu.matmul %get3A_1, %sub3A, %dot_general3A_11 {dimension_numbers = #tpu.dot_dimension_numbers<[1], [0], [0], [1], [0, 0, 1, 1], [], []>, transpose_lhs_hint = false} : vector<2048x128xf32>, vector<128x128xf32>, vector<2048x128xf32> -> vector<2048x128xf32>
    %get3A_13 = arith.constant 0 : index
    %get3A_14 = arith.constant 0 : index
    %get3A_15 = vector.load %arg3[%get3A_13, %get3A_14] : memref<1x128xf32, #tpu.memory_space<vmem>>, vector<1x128xf32>
    %add3A = vector.broadcast %get3A_15 : vector<1x128xf32> to vector<2048x128xf32>
    %add3A_16 = arith.addf %dot_general3A_12, %add3A : vector<2048x128xf32>
    %swap3A_17 = arith.constant 0 : index
    %swap3A_18 = arith.constant 0 : index
    %swap3A_19 = vector.load %arg4[%swap3A_17, %swap3A_18] : memref<2048x128xf32, #tpu.memory_space<vmem>>, vector<2048x128xf32>
    tpu.vector_store %arg4[%swap3A_17, %swap3A_18], %add3A_16 {strides = array<i32>} : memref<2048x128xf32, #tpu.memory_space<vmem>>, vector<2048x128xf32>,
    return
  }
  func.func @transform_0(%arg0: i32) -> (i32, i32) {
    %c0_i32 = arith.constant 0 : i32
    %c0_i32_0 = arith.constant 0 : i32
    return %arg0, %c0_i32 : i32, i32
  }
  func.func @transform_1(%arg0: i32) -> (i32, i32) {
    %c0_i32 = arith.constant 0 : i32
    %c0_i32_0 = arith.constant 0 : i32
    %c0_i32_1 = arith.constant 0 : i32
    return %c0_i32, %c0_i32_0 : i32, i32
  }
  func.func @transform_2(%arg0: i32) -> (i32, i32) {
    %c0_i32 = arith.constant 0 : i32
    %c0_i32_0 = arith.constant 0 : i32
    %c0_i32_1 = arith.constant 0 : i32
    return %c0_i32, %c0_i32_0 : i32, i32
  }
  func.func @transform_3(%arg0: i32) -> (i32, i32) {
    %c0_i32 = arith.constant 0 : i32
    %c0_i32_0 = arith.constant 0 : i32
    return %arg0, %c0_i32 : i32, i32
  }
  func.func @transform_4(%arg0: i32) -> (i32, i32) {
    %c0_i32 = arith.constant 0 : i32
    %c0_i32_0 = arith.constant 0 : i32
    return %arg0, %c0_i32 : i32, i32
  }
}

</mosaic_0001>

<sc_bundles>
// kernel: kernel.4.cloned.1.call-start
scs
__scs_entry_jumppad:
0x0: {  	(pc) =	sbr.rel $0x88, $3  }
0x1: {  	(tag) =	ssettag $0x0;
	lr =	simm.s32 $0x1  }
0x2: {  	[smem:$0x3F9D] =	sst lr;
	_ =	strace $0xD0000000  }
0x3: {  	_ = 	snop  }
0x4: {  	_ = 	snop  }
0x5: {  	_ = 	snop  }
0x6: {  	_ = 	snop  }
0x7: {  	_ = 	snop  }
__scs_overlays_trampoline_lowered:
0x8: {  	[smem:$0x3FAC] =	sst s0  }
0x9: {  	[smem:$0x3FAD] =	sst s1  }
0xa: {  	[smem:$0x3FAE] =	sst s2  }
0xb: {  	[smem:$0x3FAF] =	sst s3  }
0xc: {  	[smem:$0x3FB0] =	sst s4  }
0xd: {  	[smem:$0x3FB1] =	sst s5  }
0xe: {  	[smem:$0x3FB2] =	sst s6  }
0xf: {  	[smem:$0x3FB3] =	sst s7  }
0x10: {  	[smem:$0x3FB4] =	sst s8  }
0x11: {  	[smem:$0x3FB5] =	sst s9;
	s0 =	simm.s32 @!p0 $0x0  }
0x12: {  	s1 =	sld [smem:$0x3F9B];
	s0 =	simm.s32 @p0 $0x1  }
0x13: {  	[smem:$0x3FB6] =	sst s0;
	s0 =	simm.s32 @!p1 $0x0  }
0x14: {  	s2 =	sld [smem:$0x3F9A];
	s0 =	simm.s32 @p1 $0x1  }
0x15: {  	[smem:$0x3FB7] =	sst s0;
	s0 =	simm.s32 @!p2 $0x0  }
0x16: {  	s3 =	sld [smem:$0x3FDB];
	s0 =	simm.s32 @p2 $0x1  }
0x17: {  	s4 =	simm.s32 $0x1BF5;
	[smem:$0x3FB9] =	sst s0  }
0x18: {  	s0 =	sld [smem:$0x3F9C];
	_ =	swait.ge [sflag:s4], $0x0  }
0x19: {  	s7 =	sld [smem:$0x3F9D]  }
0x1a: {  	s8 =	sadd.s32 $0xFFFFE003, lr  }
0x1b: {  	s9 =	sadd.s32 $0xFFFFFEF7, lr;
	s5 =	simm.s32 $0xFFFFFFFF;
	p2 =	slt.u32 s8, $0xFFFFF086  }
0x1c: {  	p1 =	slt.u32 s9, $0xF7A;
	s5 =	simm.s32 @!p2 $0x0  }
0x1d: {  	s5 =	simm.s32 @p1 $0x1;
	p0 =	seq.s32 s7, s2  }
0x1e: {  	s7 =	smul.u32 @!p0 $0xF7A, s2;
	p2 =	seq.s32 @!p0 s5, $0x0  }
0x1f: {  	s9 =	smul.u32 $0xF7A, s1;
	s8 =	simm.s32 @!p0 $0x1BF5;
	p2 =	por !p2, p0  }
0x20: {  	[sflag:s8] =	ssyncset.s32 @!p0 $0xFFFFF086;
	s6 =	sadd.s32 @!p0 s3, s7;
	s7 =	simm.s32 @!p0 $0x108  }
0x21: {  	s3 =	sadd.s32 s3, s9;
	s6 =	sadd.s32 @!p0 $0x88, s6;
	s7 =	simm.s32 @p2 $0x1082  }
0x22: {  	[simem:s7], [sflag:s8] =	dma.local @!p0 [hbm:s6], $0xF7A  }
0x23: {  	s9 =	sor.u32 $0xD0000000, s2;
	s6 =	simm.s32 $0x108;
	_ =	swait.ge @!p0 [sflag:s8], $0x0  }
0x24: {  	s3 =	sadd.s32 $0x88, s3;
	s6 =	simm.s32 @!p1 $0x1082;
	[sflag:s4] =	ssyncset.s32 $0xFFFFF086  }
0x25: {  	[simem:s6], [sflag:s4] =	dma.local [hbm:s3], $0xF7A  }
0x26: {  	[smem:$0x3F9D] =	sst s1;
	(tag) =	ssettag s2;
	_ =	strace s9  }
0x27: {  	s1 =	sld [smem:$0x3FAD]  }
0x28: {  	s2 =	sld [smem:$0x3FAE]  }
0x29: {  	s4 =	sld [smem:$0x3FB0]  }
0x2a: {  	p0 =	seq.s32 s5, $0x0;
	s5 =	sld [smem:$0x3FB1]  }
0x2b: {  	s6 =	sld [smem:$0x3FB2]  }
0x2c: {  	s7 =	sld [smem:$0x3FB3]  }
0x2d: {  	s3 =	simm.s32 $0x108;
	s8 =	sld [smem:$0x3FB4]  }
0x2e: {  	s3 =	simm.s32 @!p0 $0x1082;
	s9 =	sld [smem:$0x3FB5]  }
0x2f: {  	lr =	sadd.s32 s0, s3;
	s0 =	sld [smem:$0x3FAC]  }
0x30: {  	s3 =	sld [smem:$0x3FAF]  }
0x31: {  	[smem:$0x3FB8] =	sst s10  }
0x32: {  	s10 =	sld [smem:$0x3FB6];
	_ =	sdelay $0x3  }
0x33: {  	p0 =	seq.s32 s10, $0x1;
	s10 =	sld [smem:$0x3FB8];
	_ =	sdelay $0x3  }
0x34: {  	[smem:$0x3FB8] =	sst s10  }
0x35: {  	s10 =	sld [smem:$0x3FB7];
	_ =	sdelay $0x3  }
0x36: {  	p1 =	seq.s32 s10, $0x1;
	s10 =	sld [smem:$0x3FB8];
	_ =	sdelay $0x3  }
0x37: {  	[smem:$0x3FB8] =	sst s10  }
0x38: {  	s10 =	sld [smem:$0x3FB9]  }
0x39: {  	_ = 	snop;
	(pc) =	sbr.ind lr, $3  }
0x3a: {  	_ = 	snop  }
0x3b: {  	_ = 	snop  }
0x3c: {  	p2 =	seq.s32 s10, $0x1;
	s10 =	sld [smem:$0x3FB8]  }
0x3d: {  	_ =	shalt  }
0x3e: {  	_ =	shalt  }
0x3f: {  	_ =	shalt  }
0x40: {  	_ =	shalt  }
0x41: {  	_ =	shalt  }
0x42: {  	_ =	shalt  }
0x43: {  	_ =	shalt  }
0x44: {  	_ =	shalt  }
0x45: {  	_ =	shalt  }
0x46: {  	_ =	shalt  }
0x47: {  	_ =	shalt  }
0x48: {  	_ =	shalt  }
0x49: {  	_ =	shalt  }
0x4a: {  	_ =	shalt  }
0x4b: {  	_ =	shalt  }
0x4c: {  	_ =	shalt  }
0x4d: {  	_ =	shalt  }
0x4e: {  	_ =	shalt  }
0x4f: {  	_ =	shalt  }
0x50: {  	_ =	shalt  }
0x51: {  	_ =	shalt  }
0x52: {  	_ =	shalt  }
0x53: {  	_ =	shalt  }
0x54: {  	_ =	shalt  }
0x55: {  	_ =	shalt  }
0x56: {  	_ =	shalt  }
0x57: {  	_ =	shalt  }
0x58: {  	_ =	shalt  }
0x59: {  	_ =	shalt  }
0x5a: {  	_ =	shalt  }
0x5b: {  	_ =	shalt  }
0x5c: {  	_ =	shalt  }
0x5d: {  	_ =	shalt  }
0x5e: {  	_ =	shalt  }
0x5f: {  	_ =	shalt  }
0x60: {  	_ =	shalt  }
0x61: {  	_ =	shalt  }
0x62: {  	_ =	shalt  }
0x63: {  	_ =	shalt  }
0x64: {  	_ =	shalt  }
0x65: {  	_ =	shalt  }
0x66: {  	_ =	shalt  }
0x67: {  	_ =	shalt  }
0x68: {  	_ =	shalt  }
0x69: {  	_ =	shalt  }
0x6a: {  	_ =	shalt  }
0x6b: {  	_ =	shalt  }
0x6c: {  	_ =	shalt  }
0x6d: {  	_ =	shalt  }
0x6e: {  	_ =	shalt  }
0x6f: {  	_ =	shalt  }
0x70: {  	_ =	shalt  }
0x71: {  	_ =	shalt  }
0x72: {  	_ =	shalt  }
0x73: {  	_ =	shalt  }
0x74: {  	_ =	shalt  }
0x75: {  	_ =	shalt  }
0x76: {  	_ =	shalt  }
0x77: {  	_ =	shalt  }
0x78: {  	_ =	shalt  }
0x79: {  	_ =	shalt  }
0x7a: {  	_ =	shalt  }
0x7b: {  	_ =	shalt  }
0x7c: {  	_ =	shalt  }
0x7d: {  	_ =	shalt  }
0x7e: {  	_ =	shalt  }
0x7f: {  	_ =	shalt  }
0x80: {  	_ =	shalt  }
0x81: {  	_ =	shalt  }
0x82: {  	_ =	shalt  }
0x83: {  	_ =	shalt  }
0x84: {  	_ =	shalt  }
0x85: {  	_ =	shalt  }
0x86: {  	_ =	shalt  }
0x87: {  	_ =	shalt  }
.Lfunc_end0:
.L_simem_size_0:
called_computation_lowered:
.L_overlay_start_0:
0x88: {  	s2 =	sld [smem:$0x3FD9]  }
0x89: {  	s3 =	sld [smem:$0x3FFE];
	_ =	sdelay $0x1  }
0x8a: {  	s1 =	srdreg.scid  }
0x8b: {  	s0 =	sand.u32 $0x1, s1  }
0x8c: {  	s17 =	sshll.u32 s0, $0xA;
	s2 =	sadd.s32 s3, s2  }
0x8d: {  	s2 =	sadd.s32 s2, s17  }
0x8e: {  	[smem:$0x3FC4] =	sst s2  }
0x8f: {  	_ = 	snop  }
0x90: {  	s2 =	sld [smem:$0x3FD0];
	(tm) =	ssettm $0x1  }
0x91: {  	s18 =	sld [smem:$0x3FFB];
	_ =	sdelay $0x3  }
0x92: {  	_ =	strace s18  }
0x93: {  	s3 =	sld [smem:$0x3FFC];
	_ =	sdelay $0x3  }
0x94: {  	_ =	strace s3  }
0x95: {  	s3 =	sld [smem:$0x3FFD];
	_ =	sdelay $0x3  }
0x96: {  	_ =	strace s3  }
0x97: {  	_ =	strace $0x8FFFFFFF  }
0x98: {  	s19 =	sld [smem:$0x3FDB];
	_ =	sdelay $0x1  }
0x99: {  	s4 =	simm.s32 $_scs_section_size  }
0x9a: {  	s5 =	simm.s32 $_size__tile_overlayer_lowered;
	s6 =	simm.s32 $_tile_overlayer_lowered  }
0x9b: {  	s22 =	simm.s32 $0x1BFF;
	s21 =	sshll.u32 s6, $0x1;
	s3 =	sadd.s32 s4, s19  }
0x9c: {  	s7 =	simm.s32 $0x0;
	s20 =	sshll.u32 s5, $0x1;
	s5 =	sadd.s32 s21, s3  }
0x9d: {  	[timem:s7], [sflag:s22] =	dma.local [hbm:s5], s20  }
0x9e: {  	_ =	swait.ge [sflag:s22], s20  }
0x9f: {  	s4 =	ssub.s32 $0x0, s20;
	[sflag:s22] =	ssyncset.done $0x0  }
0xa0: {  	[sflag:s22] =	ssyncadd.s32 s4;
	_ =	sdelay $0x1  }
0xa1: {  	s23 =	simm.s32 $0x1B8B  }
0xa2: {  	_ =	swait.ge [sflag:s23], $0x1  }
0xa3: {  	[sflag:s23] =	ssyncset.done $0x0  }
0xa4: {  	s25 =	simm.s32 $0x1B8E;
	s24 =	sld [smem:$0x3FFE];
	[sflag:s23] =	ssyncadd.s32 $0xFFFFFFFF  }
0xa5: {  	s26 =	simm.s32 $execute0_lowered;
	[smem:$0x3FD2] =	sst s25  }
0xa6: {  	s5 =	sshll.u32 s26, $0x1;
	_ =	strace $0x80000046;
	[dreg:$0x1] =	wrdreg $0xFFFFFFFF  }
0xa7: {  	s28 =	simm.s32 $_size_execute0_lowered;
	s3 =	sadd.s32 s3, s5;
	[dreg:$0x0] =	wrdreg $0x0  }
0xa8: {  	s5 =	sshll.u32 s28, $0x1;
	[dreg:$0x2] =	wrdreg s3  }
0xa9: {  	[dreg:$0x3] =	wrdreg s5  }
0xaa: {  	[dreg:$0x4] =	wrdreg $0xC0  }
0xab: {  	_ =	task [dreg:s7], $0x5FFFF  }
0xac: {  	[dreg:$0x1] =	wrdreg $0xFFFFFFFF  }
0xad: {  	[dreg:$0x0] =	wrdreg $0x60  }
0xae: {  	[dreg:$0x2] =	wrdreg s24  }
0xaf: {  	[dreg:$0x3] =	wrdreg s2  }
0xb0: {  	[dreg:$0x4] =	wrdreg $0x9  }
0xb1: {  	_ =	task.clear_ibuf [dreg:s7], $0x5FFFF;
	_ =	strace $0x90000046  }
0xb2: {  	s29 =	simm.s32 $0x9;
	_ =	strace $0x80000048  }
0xb3: {  	_ =	swait.ge [sflag:s29], $0x1  }
0xb4: {  	[sflag:s29] =	ssyncadd.s32 $0xFFFFFFFF  }
0xb5: {  	_ =	strace $0x90000048  }
0xb6: {  	_ =	sfence  }
0xb7: {  	s30 =	sld [smem:$0x0];
	_ =	sdelay $0x2  }
0xb8: {  	s31 =	sshll.u32 s1, $0xD;
	s1 =	sshrl.u32 s1, $0x2  }
0xb9: {  	s3 =	sand.u32 $0x4000, s31;
	s1 =	sadd.s32 s1, s30  }
0xba: {  	s0 =	sor.u32 s3, s0;
	s1 =	sshll.u32 s1, $0x11  }
0xbb: {  	s0 =	sor.u32 s1, s0  }
0xbc: {  	s0 =	sadd.s32 $0x8F2B, s0  }
0xbd: {  	[sflag:s0] =	ssyncadd.remote.s32 $0x1  }
0xbe: {  	_ =	sfence.sel $0xFFFF  }
0xbf: {  	[dreg:$0x0] =	wrdreg $0xFFFFFFFF;
	(pc) =	sbr.abs _section_cstart, $3  }
0xc0: {  	[dreg:$0x1] =	wrdreg $0xFFFFFFFF  }
0xc1: {  	_ =	task.clear_ibuf [dreg:s7], $0x2FFFF;
	_ =	strace $0x9FFFFFFF  }
0xc2: {  	(tm) =	ssettm $0x7FFFFFFF  }
0xc3: {  	_ =	shalt  }
tec
execute0_lowered:
.L_overlay_start_1:
0x0: {  	(tag) =	ssettag $0x1  }
0x1: {  	s8 =	rddreg [dreg:$0x0]  }
0x2: {  	s1 =	rddreg [dreg:$0x1]  }
0x3: {  	s0 =	rddreg [dreg:$0x2];
	s3 =	simm.s32 $0x0;
	s4 =	srdreg.scid  }
0x4: {  	s2 =	stileid.u32;
	s10 =	simm.s32 $0x2;
	s11 =	simm.s32 $0x1900  }
0x5: {  	s12 =	simm.s32 $0x3200;
	s13 =	simm.s32 $0x4B80;
	s14 =	simm.s32 $0x40  }
0x6: {  	s15 =	simm.s32 $0x10580;
	s16 =	simm.s32 $0x1;
	s5 =	sand.u32 $0x1, s4  }
0x7: {  	s17 =	simm.s32 $0x12580;
	s7 =	sshll.u32 s2, $0x1;
	s6 =	ssub.s32 $0x2, s5  }
0x8: {  	s18 =	simm.s32 $0x0;
	s7 =	sor.u32 s5, s7;
	s9 =	sshrl.u32 s6, $0x1  }
0x9: {  	v1 =	vimm.f32 $-Inf;
	v3 =	vlaneseq.u32;
	[smem:$0x7FF] =	sst s3;
	s9 =	ssub.s32 s6, s9;
	s6 =	smul.u32 $0x140, s7  }
0xa: {  	v2 =	vimm.s32 $0x0;
	v4 =	vimm.s32 $0x140;
	s4 =	sadd.s32 $0xA600, s8;
	v5 =	vor.u32 $0x10, v3;
	_ =	strace $0x80000047;
	s5 =	sadd.s32 $0x32600, s8  }
0xb: {  	v6 =	vor.u32 $0x20, v3;
	v7 =	vor.u32 $0x30, v3;
	s7 =	sadd.s32 $0x800, s8;
	s8 =	sadd.s32 $0x5A600, s8;
	s9 =	smax.u32 s9, $0x1;
	v0 =	vmov s6  }
.LBB2_1:
0xc: {  	s19 =	simm.s32 $0x6520  }
0xd: {  	[tilespmem:s19+$0xFFFFFFE0] =	vst v1  }
0xe: {  	[tilespmem:s19+$0x10] =	vst v1  }
0xf: {  	s20 =	simm.s32 $0x0;
	[tilespmem:s19+$0x0] =	vst v1  }
.LBB2_2:
0x10: {  	s20 =	sadd.s32 $0x4, s20  }
0x11: {  	[tilespmem:s19+$0xFFFFFFF0] =	vst v1;
	s19 =	sadd.s32 $0x40, s19;
	p0 =	slt.u32 s20, $0xA04  }
.Ltmp0:
0x12: {  	[tilespmem:s19+$0xFFFFFFE0] =	vst v1;
	(pc) =	sbr.rel @p0 .LBB2_2-.Ltmp0, $3  }
0x13: {  	_ =	sdelay $0x1  }
0x14: {  	[tilespmem:s19+$0x10] =	vst v1  }
0x15: {  	[tilespmem:s19+$0x0] =	vst v1  }
.Ltmp1:
0x16: {  	(pc) =	sbr.rel .LBB2_4-.Ltmp1, $2  }
0x17: {  	_ =	sdelay $0x2  }
0x18: {  	[tilespmem:s19+$0xFFFFFFF0] =	vst v1;
	s19 =	simm.s32 $0x0  }
.LBB2_10:
0x19: {  	s19 =	sadd.s32 $0x1, s19  }
0x1a: {  	p0 =	sne.s32 s19, $0x32  }
.Ltmp2:
0x1b: {  	_ = 	snop;
	(pc) =	sbr.rel @!p0 .LBB2_11-.Ltmp2, $1  }
0x1c: {  	_ =	sdelay $0x3  }
.LBB2_4:
0x1d: {  	s20 =	smul.u32 $0x320, s19;
	_ =	sdelay $0x1  }
0x1e: {  	s21 =	sadd.s32 s1, s20  }
0x1f: {  	[tilespmem:s3], [sflag:$0x2] =	stream.linear.gather [hbm4b:s21+s3], $0x1900, $0x38;
	[tilespmem:$0x13580] =	vst v63  }
0x20: {  	_ =	swait.ge [sflag:s10], $0x1900  }
0x21: {  	[sflag:s10] =	ssyncset.done $0x0  }
0x22: {  	s20 =	sadd.s32 s7, s20;
	[sflag:s10] =	ssyncadd.s32 $0xFFFFE700  }
0x23: {  	[tilespmem:s11], [sflag:$0x2] =	stream.linear.gather [hbm4b:s20+s3], $0x1900, $0x38;
	[tilespmem:$0x13580] =	vst v63  }
0x24: {  	_ =	swait.ge [sflag:s10], $0x1900  }
0x25: {  	s22 =	simm.s32 $0x20;
	[sflag:s10] =	ssyncset.done $0x0  }
0x26: {  	v8 =	vimm.s32 $0x0;
	s21 =	simm.s32 $0x1920;
	s20 =	simm.s32 $0xFFFFFFFC;
	[sflag:s10] =	ssyncadd.s32 $0xFFFFE700  }
.LBB2_5:
0x27: {  	v9 =	vld [tilespmem:s22+$0xFFFFFFE0];
	_ =	sdelay $0x4  }
0x28: {  	v9 =	vsub.s32 v9, v0  }
0x29: {  	vm0 =	vlt.u32 v9, $0x140  }
0x2a: {  	v10 =	vsel vm0, $0x1, v2  }
0x2b: {  	(xrf0) =	vadd.scan.msk.s32 $0xffff, v10;
	_ =	sdelay $0x5  }
0x2c: {  	v10, _, _ =	vpop (xrf0)  }
0x2d: {  	v10 =	vadd.s32 v10, v8  }
0x2e: {  	v11 =	vld [tilespmem:s21+$0xFFFFFFE0];
	v10 =	vadd.s32 $0xFFFFFFFF, v10;
	_ =	sdelay $0x4  }
0x2f: {  	[tilespmem:v10+s12+$0x0] =	vst.idx.msk vm0, v11  }
0x30: {  	[tilespmem:v10+s13+$0x0] =	vst.idx.msk vm0, v9  }
0x31: {  	v9 =	vld [tilespmem:s22+$0xFFFFFFF0];
	_ =	sdelay $0x4  }
0x32: {  	v9 =	vsub.s32 v9, v0  }
0x33: {  	vm1 =	vlt.u32 v9, $0x140  }
0x34: {  	v10 =	vsel vm1, $0x1, v2  }
0x35: {  	(xrf0) =	vadd.scan.msk.s32 $0xffff, v10;
	_ =	sdelay $0x1  }
0x36: {  	v10 =	vmpcnt.ones.xlane vm0;
	_ =	sdelay $0x3  }
0x37: {  	v8 =	vadd.s32 v8, v10;
	v10, _, _ =	vpop (xrf0)  }
0x38: {  	v10 =	vadd.s32 v10, v8  }
0x39: {  	v11 =	vld [tilespmem:s21+$0xFFFFFFF0];
	v10 =	vadd.s32 $0xFFFFFFFF, v10;
	_ =	sdelay $0x4  }
0x3a: {  	[tilespmem:v10+s12+$0x0] =	vst.idx.msk vm1, v11  }
0x3b: {  	[tilespmem:v10+s13+$0x0] =	vst.idx.msk vm1, v9  }
0x3c: {  	v9 =	vld [tilespmem:s22+$0x0];
	_ =	sdelay $0x4  }
0x3d: {  	v9 =	vsub.s32 v9, v0  }
0x3e: {  	vm14 =	vlt.u32 v9, $0x140  }
0x3f: {  	v10 =	vsel vm14, $0x1, v2  }
0x40: {  	(xrf0) =	vadd.scan.msk.s32 $0xffff, v10;
	_ =	sdelay $0x1  }
0x41: {  	v10 =	vmpcnt.ones.xlane vm1;
	_ =	sdelay $0x3  }
0x42: {  	v8 =	vadd.s32 v8, v10;
	v10, _, _ =	vpop (xrf0)  }
0x43: {  	v10 =	vadd.s32 v10, v8  }
0x44: {  	v11 =	vld [tilespmem:s21+$0x0];
	v10 =	vadd.s32 $0xFFFFFFFF, v10;
	_ =	sdelay $0x4  }
0x45: {  	[tilespmem:v10+s12+$0x0] =	vst.idx.msk vm14, v11  }
0x46: {  	[tilespmem:v10+s13+$0x0] =	vst.idx.msk vm14, v9  }
0x47: {  	v9 =	vld [tilespmem:s22+$0x10];
	_ =	sdelay $0x4  }
0x48: {  	v9 =	vsub.s32 v9, v0  }
0x49: {  	vm15 =	vlt.u32 v9, $0x140  }
0x4a: {  	v10 =	vsel vm15, $0x1, v2  }
0x4b: {  	(xrf0) =	vadd.scan.msk.s32 $0xffff, v10;
	_ =	sdelay $0x1  }
0x4c: {  	v10 =	vmpcnt.ones.xlane vm14;
	_ =	sdelay $0x3  }
0x4d: {  	v8 =	vadd.s32 v8, v10;
	v10, _, _ =	vpop (xrf0)  }
0x4e: {  	v10 =	vadd.s32 v10, v8  }
0x4f: {  	s20 =	sadd.s32 $0x4, s20;
	v11 =	vld [tilespmem:s21+$0x10];
	v10 =	vadd.s32 $0xFFFFFFFF, v10  }
0x50: {  	p0 =	slt.u32 s20, $0x18C  }
.Ltmp3:
0x51: {  	_ = 	snop;
	(pc) =	sbr.rel @p0 .LBB2_5-.Ltmp3, $4  }
0x52: {  	_ = 	snop  }
0x53: {  	v12 =	vmpcnt.ones.xlane vm15  }
0x54: {  	[tilespmem:v10+s12+$0x0] =	vst.idx.msk vm15, v11  }
0x55: {  	s21 =	sadd.s32 $0x40, s21;
	s22 =	sadd.s32 $0x40, s22;
	v8 =	vadd.s32 v8, v12;
	[tilespmem:v10+s13+$0x0] =	vst.idx.msk vm15, v9  }
0x56: {  	v9 =	vxor.u32 $0x80000000, v8  }
0x57: {  	(xrf0) =	vmax.scan.msk.u32 $0xffff, v9;
	_ =	sdelay $0x5  }
0x58: {  	v9, _, _ =	vpop (xrf0)  }
0x59: {  	(v2sf) =	vpush v9, $0xF;
	_ =	sdelay $0xa  }
0x5a: {  	v63 =	vadd.s32 v3, v8;
	_ =	sdelay $0x1  }
0x5b: {  	v10 =	vadd.s32 v5, v8;
	_ =	sdelay $0x1  }
0x5c: {  	v11 =	vadd.s32 v6, v8;
	s21 =	spop (v2sf)  }
0x5d: {  	s20 =	simm.s32 $0x4B80;
	[tilespmem:v63+s12+$0x0] =	vst.idx.msk $0xffff, v2;
	s21 =	sadd.s32 $0x8000003F, s21  }
0x5e: {  	v8 =	vadd.s32 v7, v8;
	[tilespmem:v63+s20+$0x0] =	vst.idx.msk $0xffff, v4;
	s21 =	sshra.s32 s21, $0x6  }
0x5f: {  	[tilespmem:v10+s12+$0x0] =	vst.idx.msk $0xffff, v2;
	p0 =	slt.s32 s21, $0x1  }
.Ltmp4:
0x60: {  	[tilespmem:v10+s20+$0x0] =	vst.idx.msk $0xffff, v4;
	(pc) =	sbr.rel @p0 .LBB2_10-.Ltmp4, $4  }
0x61: {  	[tilespmem:v11+s12+$0x0] =	vst.idx.msk $0xffff, v2  }
0x62: {  	[tilespmem:v11+s20+$0x0] =	vst.idx.msk $0xffff, v4  }
0x63: {  	[tilespmem:v8+s12+$0x0] =	vst.idx.msk $0xffff, v2  }
0x64: {  	s22 =	simm.s32 $0x0;
	[tilespmem:v8+s20+$0x0] =	vst.idx.msk $0xffff, v4  }
.LBB2_7:
0x65: {  	s23 =	sshll.u32 s22, $0x6  }
0x66: {  	v8 =	vmov s20;
	s23 =	sadd.s32 $0x3200, s23  }
0x67: {  	[tilespmem:s15], [sflag:$0x1] =	stream.indirect.gather [hbm4b:s4+s14], $0x80, s23, s14, $0xb8;
	[tilespmem:$0x13580] =	vst v63  }
0x68: {  	_ =	swait.ge [sflag:s16], $0x2000  }
0x69: {  	[sflag:s16] =	ssyncset.done $0x0  }
0x6a: {  	s31 =	simm.s32 $0x0;
	[sflag:s16] =	ssyncadd.s32 $0xFFFFE000  }
0x6b: {  	v9 =	vld.idx.msk [tilespmem:v8+s31+$0x0 ss:$0x1], $0xffff;
	_ =	sdelay $0x4  }
0x6c: {  	(v2sf) =	vpush v9, $0x0;
	_ =	sdelay $0xe  }
0x6d: {  	s24 =	spop (v2sf)  }
0x6e: {  	s23 =	simm.s32 $0x105C0;
	s24 =	sshll.u32 s24, $0x9  }
0x6f: {  	v9 =	vld [tilespmem:s23+$0xFFFFFFC0];
	s24 =	sshra.s32 s24, $0x2  }
0x70: {  	v10 =	vld [tilespmem:s24+$0x6500];
	_ =	sdelay $0x4  }
0x71: {  	v9 =	vmax.f32 v10, v9  }
0x72: {  	[tilespmem:s24+$0x6500] =	vst v9;
	v9 =	vld [tilespmem:s24+$0x6510]  }
0x73: {  	v10 =	vld [tilespmem:s23+$0xFFFFFFD0];
	_ =	sdelay $0x4  }
0x74: {  	v9 =	vmax.f32 v9, v10  }
0x75: {  	[tilespmem:s24+$0x6510] =	vst v9;
	v9 =	vld [tilespmem:s24+$0x6520]  }
0x76: {  	v10 =	vld [tilespmem:s23+$0xFFFFFFE0];
	_ =	sdelay $0x4  }
0x77: {  	v9 =	vmax.f32 v9, v10  }
0x78: {  	[tilespmem:s24+$0x6520] =	vst v9;
	v9 =	vld [tilespmem:s24+$0x6530]  }
0x79: {  	v10 =	vld [tilespmem:s23+$0xFFFFFFF0];
	_ =	sdelay $0x4  }
0x7a: {  	v9 =	vmax.f32 v9, v10  }
0x7b: {  	[tilespmem:s24+$0x6530] =	vst v9;
	v9 =	vld [tilespmem:s24+$0x6540]  }
0x7c: {  	v10 =	vld [tilespmem:s23+$0x0];
	_ =	sdelay $0x4  }
0x7d: {  	v9 =	vmax.f32 v9, v10  }
0x7e: {  	[tilespmem:s24+$0x6540] =	vst v9;
	v9 =	vld [tilespmem:s24+$0x6550]  }
0x7f: {  	v10 =	vld [tilespmem:s23+$0x10];
	_ =	sdelay $0x4  }
0x80: {  	v9 =	vmax.f32 v9, v10  }
0x81: {  	[tilespmem:s24+$0x6550] =	vst v9;
	v9 =	vld [tilespmem:s24+$0x6560]  }
0x82: {  	v10 =	vld [tilespmem:s23+$0x20];
	_ =	sdelay $0x4  }
0x83: {  	v9 =	vmax.f32 v9, v10  }
0x84: {  	[tilespmem:s24+$0x6560] =	vst v9;
	v9 =	vld [tilespmem:s24+$0x6570]  }
0x85: {  	v10 =	vld [tilespmem:s23+$0x30];
	_ =	sdelay $0x4  }
0x86: {  	s25 =	simm.s32 $0x4;
	s28 =	simm.s32 $0x8;
	v9 =	vmax.f32 v9, v10  }
.LBB2_8:
0x87: {  	s29 =	sshra.s32 s25, $0x2  }
0x88: {  	[tilespmem:s24+$0x6570] =	vst v9;
	s23 =	sadd.s32 $0x80, s23;
	s25 =	smov.u32 s28;
	s26 =	sadd.s32 $0x4, s28  }
0x89: {  	p0 =	sne.s32 s28, $0xFC;
	v9 =	vld.idx.msk [tilespmem:v8+s29+$0x0 ss:$0x1], $0xffff;
	_ =	sdelay $0x5  }
0x8a: {  	(v2sf) =	vpush v9, $0x0;
	_ =	sdelay $0xe  }
0x8b: {  	s24 =	spop (v2sf)  }
0x8c: {  	s24 =	sshll.u32 s24, $0x9  }
0x8d: {  	s24 =	sshra.s32 s24, $0x2;
	v9 =	vld [tilespmem:s23+$0xFFFFFFC0]  }
0x8e: {  	v10 =	vld [tilespmem:s24+$0x6500];
	_ =	sdelay $0x4  }
0x8f: {  	v9 =	vmax.f32 v10, v9  }
0x90: {  	[tilespmem:s24+$0x6500] =	vst v9;
	v9 =	vld [tilespmem:s24+$0x6510]  }
0x91: {  	v10 =	vld [tilespmem:s23+$0xFFFFFFD0];
	_ =	sdelay $0x4  }
0x92: {  	v9 =	vmax.f32 v9, v10  }
0x93: {  	[tilespmem:s24+$0x6510] =	vst v9;
	v9 =	vld [tilespmem:s24+$0x6520]  }
0x94: {  	v10 =	vld [tilespmem:s23+$0xFFFFFFE0];
	_ =	sdelay $0x4  }
0x95: {  	v9 =	vmax.f32 v9, v10  }
0x96: {  	[tilespmem:s24+$0x6520] =	vst v9;
	v9 =	vld [tilespmem:s24+$0x6530]  }
0x97: {  	v10 =	vld [tilespmem:s23+$0xFFFFFFF0];
	_ =	sdelay $0x4  }
0x98: {  	v9 =	vmax.f32 v9, v10  }
0x99: {  	[tilespmem:s24+$0x6530] =	vst v9;
	v9 =	vld [tilespmem:s24+$0x6540]  }
0x9a: {  	v10 =	vld [tilespmem:s23+$0x0];
	_ =	sdelay $0x4  }
0x9b: {  	v9 =	vmax.f32 v9, v10  }
0x9c: {  	[tilespmem:s24+$0x6540] =	vst v9;
	v9 =	vld [tilespmem:s24+$0x6550]  }
0x9d: {  	v10 =	vld [tilespmem:s23+$0x10];
	_ =	sdelay $0x4  }
0x9e: {  	v9 =	vmax.f32 v9, v10  }
0x9f: {  	[tilespmem:s24+$0x6550] =	vst v9;
	v9 =	vld [tilespmem:s24+$0x6560]  }
0xa0: {  	v10 =	vld [tilespmem:s23+$0x20];
	_ =	sdelay $0x4  }
0xa1: {  	v9 =	vmax.f32 v9, v10  }
0xa2: {  	[tilespmem:s24+$0x6560] =	vst v9;
	v9 =	vld [tilespmem:s24+$0x6570]  }
0xa3: {  	v10 =	vld [tilespmem:s23+$0x30]  }
.Ltmp5:
0xa4: {  	(pc) =	sbr.rel @p0 .LBB2_8-.Ltmp5, $2  }
0xa5: {  	_ =	sdelay $0x2  }
0xa6: {  	s28 =	smov.u32 s26;
	v9 =	vmax.f32 v9, v10  }
0xa7: {  	_ =	sdelay $0x2  }
0xa8: {  	s25 =	sshra.s32 s25, $0x2;
	[tilespmem:s24+$0x6570] =	vst v9  }
0xa9: {  	v8 =	vld.idx.msk [tilespmem:v8+s25+$0x0 ss:$0x1], $0xffff;
	_ =	sdelay $0x4  }
0xaa: {  	(v2sf) =	vpush v8, $0x0;
	_ =	sdelay $0xe  }
0xab: {  	s31 =	spop (v2sf)  }
0xac: {  	s23 =	sadd.s32 $0x80, s23;
	s24 =	sshll.u32 s31, $0x9  }
0xad: {  	v8 =	vld [tilespmem:s23+$0xFFFFFFC0];
	s24 =	sshra.s32 s24, $0x2  }
0xae: {  	v9 =	vld [tilespmem:s24+$0x6500];
	_ =	sdelay $0x4  }
0xaf: {  	v8 =	vmax.f32 v9, v8  }
0xb0: {  	[tilespmem:s24+$0x6500] =	vst v8;
	v8 =	vld [tilespmem:s24+$0x6510]  }
0xb1: {  	v57 =	vld [tilespmem:s23+$0xFFFFFFD0];
	_ =	sdelay $0x4  }
0xb2: {  	v8 =	vmax.f32 v8, v57  }
0xb3: {  	[tilespmem:s24+$0x6510] =	vst v8;
	v8 =	vld [tilespmem:s24+$0x6520]  }
0xb4: {  	v58 =	vld [tilespmem:s23+$0xFFFFFFE0];
	_ =	sdelay $0x4  }
0xb5: {  	v8 =	vmax.f32 v8, v58  }
0xb6: {  	[tilespmem:s24+$0x6520] =	vst v8;
	v8 =	vld [tilespmem:s24+$0x6530]  }
0xb7: {  	v59 =	vld [tilespmem:s23+$0xFFFFFFF0];
	_ =	sdelay $0x4  }
0xb8: {  	v8 =	vmax.f32 v8, v59  }
0xb9: {  	[tilespmem:s24+$0x6530] =	vst v8;
	v8 =	vld [tilespmem:s24+$0x6540]  }
0xba: {  	v60 =	vld [tilespmem:s23+$0x0];
	_ =	sdelay $0x4  }
0xbb: {  	v8 =	vmax.f32 v8, v60  }
0xbc: {  	[tilespmem:s24+$0x6540] =	vst v8;
	v8 =	vld [tilespmem:s24+$0x6550]  }
0xbd: {  	v61 =	vld [tilespmem:s23+$0x10];
	_ =	sdelay $0x4  }
0xbe: {  	v8 =	vmax.f32 v8, v61  }
0xbf: {  	[tilespmem:s24+$0x6550] =	vst v8;
	v8 =	vld [tilespmem:s24+$0x6560]  }
0xc0: {  	v62 =	vld [tilespmem:s23+$0x20];
	_ =	sdelay $0x4  }
0xc1: {  	v8 =	vmax.f32 v8, v62  }
0xc2: {  	[tilespmem:s24+$0x6560] =	vst v8;
	v8 =	vld [tilespmem:s24+$0x6570]  }
0xc3: {  	s22 =	sadd.s32 $0x1, s22;
	v63 =	vld [tilespmem:s23+$0x30]  }
0xc4: {  	p0 =	sne.s32 s22, s21  }
.Ltmp6:
0xc5: {  	_ = 	snop;
	(pc) =	sbr.rel @p0 .LBB2_7-.Ltmp6, $4  }
.Ltmp7:
0xc6: {  	_ = 	snop;
	(pc) =	sbr.rel @!p0 .LBB2_10-.Ltmp7, $4  }
0xc7: {  	_ = 	snop  }
0xc8: {  	v8 =	vmax.f32 v8, v63  }
0xc9: {  	s20 =	sadd.s32 $0x40, s20;
	[tilespmem:s24+$0x6570] =	vst v8  }
0xca: {  	_ = 	snop  }
.LBB2_11:
0xcb: {  	s19 =	simm.s32 $0x0;
	s20 =	simm.s32 $0x6570;
	s21 =	simm.s32 $0x0  }
.LBB2_12:
0xcc: {  	s22 =	sshll.u32 s21, $0x5  }
0xcd: {  	s22 =	sadd.s32 s6, s22  }
0xce: {  	s22 =	sshll.u32 s22, $0x4  }
0xcf: {  	v8 =	vmov s20;
	s23 =	sadd.s32 s5, s22  }
0xd0: {  	[tilespmem:s17], [sflag:$0x2] =	stream.linear.gather [hbm4b:s23+s19], $0x1000, $0x38;
	[tilespmem:$0x13580] =	vst v63  }
0xd1: {  	_ =	swait.ge [sflag:s10], $0x1000  }
0xd2: {  	[sflag:s10] =	ssyncset.done $0x0  }
0xd3: {  	s24 =	simm.s32 $0x200;
	s23 =	simm.s32 $0x0;
	[sflag:s10] =	ssyncadd.s32 $0xFFFFF000  }
.LBB2_13:
0xd4: {  	p0 =	sne.s32 s24, $0x3E00;
	v9 =	vld.idx.msk [tilespmem:v8+s23+$0xFFFFFF90 ss:$0x1], $0xffff  }
0xd5: {  	v10 =	vld [tilespmem:s23+$0x12580];
	_ =	sdelay $0x4  }
0xd6: {  	v9 =	vadd.f32 v9, v10;
	_ =	sdelay $0x1  }
0xd7: {  	v9 =	vmax.f32 v9, $0.0e+00  }
0xd8: {  	[tilespmem:s23+$0x12580] =	vst v9  }
0xd9: {  	v9 =	vld.idx.msk [tilespmem:v8+s23+$0xFFFFFFA0 ss:$0x1], $0xffff  }
0xda: {  	v10 =	vld [tilespmem:s23+$0x12590];
	_ =	sdelay $0x4  }
0xdb: {  	v9 =	vadd.f32 v9, v10;
	_ =	sdelay $0x1  }
0xdc: {  	v9 =	vmax.f32 v9, $0.0e+00  }
0xdd: {  	[tilespmem:s23+$0x12590] =	vst v9  }
0xde: {  	v9 =	vld.idx.msk [tilespmem:v8+s23+$0xFFFFFFB0 ss:$0x1], $0xffff  }
0xdf: {  	v10 =	vld [tilespmem:s23+$0x125A0];
	_ =	sdelay $0x4  }
0xe0: {  	v9 =	vadd.f32 v9, v10;
	_ =	sdelay $0x1  }
0xe1: {  	v9 =	vmax.f32 v9, $0.0e+00  }
0xe2: {  	[tilespmem:s23+$0x125A0] =	vst v9  }
0xe3: {  	v9 =	vld.idx.msk [tilespmem:v8+s23+$0xFFFFFFC0 ss:$0x1], $0xffff  }
0xe4: {  	v10 =	vld [tilespmem:s23+$0x125B0];
	_ =	sdelay $0x4  }
0xe5: {  	v9 =	vadd.f32 v9, v10;
	_ =	sdelay $0x1  }
0xe6: {  	v9 =	vmax.f32 v9, $0.0e+00  }
0xe7: {  	[tilespmem:s23+$0x125B0] =	vst v9  }
0xe8: {  	v9 =	vld.idx.msk [tilespmem:v8+s23+$0xFFFFFFD0 ss:$0x1], $0xffff  }
0xe9: {  	v10 =	vld [tilespmem:s23+$0x125C0];
	_ =	sdelay $0x4  }
0xea: {  	v9 =	vadd.f32 v9, v10;
	_ =	sdelay $0x1  }
0xeb: {  	v9 =	vmax.f32 v9, $0.0e+00  }
0xec: {  	[tilespmem:s23+$0x125C0] =	vst v9  }
0xed: {  	v9 =	vld.idx.msk [tilespmem:v8+s23+$0xFFFFFFE0 ss:$0x1], $0xffff  }
0xee: {  	v10 =	vld [tilespmem:s23+$0x125D0];
	_ =	sdelay $0x4  }
0xef: {  	v9 =	vadd.f32 v9, v10;
	_ =	sdelay $0x1  }
0xf0: {  	v9 =	vmax.f32 v9, $0.0e+00  }
0xf1: {  	[tilespmem:s23+$0x125D0] =	vst v9  }
0xf2: {  	v9 =	vld.idx.msk [tilespmem:v8+s23+$0xFFFFFFF0 ss:$0x1], $0xffff  }
0xf3: {  	v10 =	vld [tilespmem:s23+$0x125E0];
	_ =	sdelay $0x4  }
0xf4: {  	v9 =	vadd.f32 v9, v10;
	_ =	sdelay $0x1  }
0xf5: {  	v9 =	vmax.f32 v9, $0.0e+00  }
0xf6: {  	[tilespmem:s23+$0x125E0] =	vst v9  }
0xf7: {  	v9 =	vld.idx.msk [tilespmem:v8+s23+$0x0 ss:$0x1], $0xffff  }
0xf8: {  	v10 =	vld [tilespmem:s23+$0x125F0];
	_ =	sdelay $0x3  }
.Ltmp8:
0xf9: {  	(pc) =	sbr.rel @p0 .LBB2_13-.Ltmp8, $3  }
0xfa: {  	v9 =	vadd.f32 v9, v10;
	_ =	sdelay $0x1  }
0xfb: {  	v9 =	vmax.f32 v9, $0.0e+00  }
0xfc: {  	[tilespmem:s23+$0x125F0] =	vst v9;
	s23 =	sshra.s32 s24, $0x2;
	s24 =	sadd.s32 $0x200, s24  }
0xfd: {  	_ =	sdelay $0x3  }
0xfe: {  	v9 =	vld.idx.msk [tilespmem:v8+s23+$0xFFFFFF90 ss:$0x1], $0xffff  }
0xff: {  	v10 =	vld [tilespmem:s23+$0x12580];
	_ =	sdelay $0x4  }
0x100: {  	v9 =	vadd.f32 v9, v10;
	_ =	sdelay $0x1  }
0x101: {  	v9 =	vmax.f32 v9, $0.0e+00  }
0x102: {  	v57 =	vld [tilespmem:s23+$0x12590];
	[tilespmem:s23+$0x12580] =	vst v9  }
0x103: {  	v9 =	vld.idx.msk [tilespmem:v8+s23+$0xFFFFFFA0 ss:$0x1], $0xffff;
	_ =	sdelay $0x4  }
0x104: {  	v9 =	vadd.f32 v9, v57;
	_ =	sdelay $0x1  }
0x105: {  	v9 =	vmax.f32 v9, $0.0e+00  }
0x106: {  	v58 =	vld [tilespmem:s23+$0x125A0];
	[tilespmem:s23+$0x12590] =	vst v9  }
0x107: {  	v9 =	vld.idx.msk [tilespmem:v8+s23+$0xFFFFFFB0 ss:$0x1], $0xffff;
	_ =	sdelay $0x4  }
0x108: {  	v9 =	vadd.f32 v9, v58;
	_ =	sdelay $0x1  }
0x109: {  	v9 =	vmax.f32 v9, $0.0e+00  }
0x10a: {  	v59 =	vld [tilespmem:s23+$0x125B0];
	[tilespmem:s23+$0x125A0] =	vst v9  }
0x10b: {  	v9 =	vld.idx.msk [tilespmem:v8+s23+$0xFFFFFFC0 ss:$0x1], $0xffff;
	_ =	sdelay $0x4  }
0x10c: {  	v9 =	vadd.f32 v9, v59;
	_ =	sdelay $0x1  }
0x10d: {  	v9 =	vmax.f32 v9, $0.0e+00  }
0x10e: {  	v60 =	vld [tilespmem:s23+$0x125C0];
	[tilespmem:s23+$0x125B0] =	vst v9  }
0x10f: {  	v9 =	vld.idx.msk [tilespmem:v8+s23+$0xFFFFFFD0 ss:$0x1], $0xffff;
	_ =	sdelay $0x4  }
0x110: {  	v9 =	vadd.f32 v9, v60;
	_ =	sdelay $0x1  }
0x111: {  	v9 =	vmax.f32 v9, $0.0e+00  }
0x112: {  	v61 =	vld [tilespmem:s23+$0x125D0];
	[tilespmem:s23+$0x125C0] =	vst v9  }
0x113: {  	v9 =	vld.idx.msk [tilespmem:v8+s23+$0xFFFFFFE0 ss:$0x1], $0xffff;
	_ =	sdelay $0x4  }
0x114: {  	v9 =	vadd.f32 v9, v61;
	_ =	sdelay $0x1  }
0x115: {  	v9 =	vmax.f32 v9, $0.0e+00  }
0x116: {  	v62 =	vld [tilespmem:s23+$0x125E0];
	[tilespmem:s23+$0x125D0] =	vst v9  }
0x117: {  	v9 =	vld.idx.msk [tilespmem:v8+s23+$0xFFFFFFF0 ss:$0x1], $0xffff;
	_ =	sdelay $0x4  }
0x118: {  	v9 =	vadd.f32 v9, v62;
	_ =	sdelay $0x1  }
0x119: {  	v9 =	vmax.f32 v9, $0.0e+00  }
0x11a: {  	v63 =	vld [tilespmem:s23+$0x125F0];
	[tilespmem:s23+$0x125E0] =	vst v9  }
0x11b: {  	v8 =	vld.idx.msk [tilespmem:v8+s23+$0x0 ss:$0x1], $0xffff;
	_ =	sdelay $0x4  }
0x11c: {  	v8 =	vadd.f32 v8, v63  }
0x11d: {  	s21 =	sadd.s32 $0x1, s21  }
0x11e: {  	p0 =	sne.s32 s21, $0xA;
	v8 =	vmax.f32 v8, $0.0e+00  }
.Ltmp9:
0x11f: {  	s22 =	sadd.s32 s8, s22;
	[tilespmem:s23+$0x125F0] =	vst v8;
	(pc) =	sbr.rel @p0 .LBB2_12-.Ltmp9, $4  }
0x120: {  	[hbm4b:s22+s3] =	stream.linear.scatter [tilespmem:s17], [sflag:$0x2], $0x1000, $0x38;
	[tilespmem:$0x13580] =	vst v63  }
0x121: {  	_ =	swait.ge [sflag:s10], $0x1000  }
0x122: {  	[sflag:s10] =	ssyncset.done $0x0  }
0x123: {  	s20 =	sadd.s32 $0x1000, s20;
	[sflag:s10] =	ssyncadd.s32 $0xFFFFF000  }
0x124: {  	s18 =	sadd.s32 $0x1, s18  }
0x125: {  	p0 =	sne.s32 s18, s9  }
.Ltmp10:
0x126: {  	_ = 	snop;
	(pc) =	sbr.rel @p0 .LBB2_1-.Ltmp10, $1  }
0x127: {  	_ =	sdelay $0x3  }
0x128: {  	_ =	sfence.sel $0x180000  }
0x129: {  	[bflag:$0x0] =	sbarrier.arrive $0xFFFF  }
0x12a: {  	p0 =	sne.s32 s2, $0x0;
	_ =	strace $0x90000047  }
0x12b: {  	s0 =	sadd.s32 @!p0 $0x100000, s0;
	[bflag:$0x2] =	sbarrier.arrive $0xFFFF  }
0x12c: {  	[sflag:s0] =	ssyncadd.tile.s32 @!p0 $0x1;
	_ =	shalt  }
.Lfunc_end2:
_tile_overlayer_lowered:
.L_overlay_start_2:
0x12d: {  	(tag) =	ssettag $0x2  }
0x12e: {  	s0 =	rddreg [dreg:$0x0];
	s2 =	stileid.u32  }
0x12f: {  	s1 =	rddreg [dreg:$0x1];
	p0 =	sne.s32 s2, $0x0  }
0x130: {  	s3 =	rddreg [dreg:$0x2];
	[bflag:$0x3] =	sbarrier.arrive $0xFFFF;
	s2 =	simm.s32 @!p0 $0x1C02  }
0x131: {  	[timem:s3], [sflag:s2] =	dma.local @!p0 [hbm:s0], s1  }
0x132: {  	s0 =	simm.s32 @!p0 $0x2  }
0x133: {  	_ =	swait.ge @!p0 [sflag:s0], s1  }
0x134: {  	s1 =	ssub.s32 @!p0 $0x0, s1;
	[sflag:s0] =	ssyncset.done @!p0 $0x0  }
0x135: {  	[sflag:s0] =	ssyncadd.s32 @!p0 s1  }
0x136: {  	[bflag:$0x3] =	sbarrier.arrive $0xFFFF  }
0x137: {  	_ =	shalt  }

</sc_bundles>
